<compile_context>
chip_gen: v7x
topology: tpu7x:2x2x1
jax: 0.10.2.dev20260603
libtpu: 0.0.44.dev20260713+nightly
codegen_flags: <defaults>
</compile_context>

<pallas_src>
import functools
import math

import jax
import jax.numpy as jnp
from jax import lax
from jax.experimental import pallas as pl
from jax.experimental.pallas import tpu as pltpu
from jax.experimental.pallas import tpu_sc as plsc

NINP = 128
SEQ = 200
BATCH = 1024
ROWS = SEQ * BATCH
NWORKERS = 32
RPW = ROWS // NWORKERS
STAGE = 128
NSTAGES = RPW // STAGE
NPHASE = 3
SROWS = 16
LANES = 16
_SCALE = math.sqrt(NINP)


def _pe_table():
    position = jnp.arange(0, SEQ, dtype=jnp.float32)[:, None]
    div_term = jnp.exp(
        jnp.arange(0, NINP, 2, dtype=jnp.float32) * (-math.log(10000.0) / NINP)
    )
    pe = jnp.zeros((SEQ, NINP), dtype=jnp.float32)
    pe = pe.at[:, 0::2].set(jnp.sin(position * div_term))
    pe = pe.at[:, 1::2].set(jnp.cos(position * div_term))
    return pe


@functools.partial(
    pl.kernel,
    mesh=plsc.VectorSubcoreMesh(core_axis_name="c", subcore_axis_name="s"),
    out_type=jax.ShapeDtypeStruct((ROWS, NINP), jnp.float32),
    scratch_types=[
        pltpu.VMEM((RPW,), jnp.int32),
        pltpu.VMEM((SROWS, NINP), jnp.float32),
        pltpu.VMEM((STAGE, NINP), jnp.float32),
        pltpu.VMEM((STAGE, NINP), jnp.float32),
        pltpu.VMEM((STAGE, NINP), jnp.float32),
        pltpu.VMEM((STAGE, NINP), jnp.float32),
        pltpu.VMEM((STAGE, NINP), jnp.float32),
        pltpu.VMEM((STAGE, NINP), jnp.float32),
        pltpu.SemaphoreType.DMA,
        pltpu.SemaphoreType.DMA,
        pltpu.SemaphoreType.DMA,
        pltpu.SemaphoreType.DMA,
        pltpu.SemaphoreType.DMA,
        pltpu.SemaphoreType.DMA,
    ],
)
def _encode_sc(idx_hbm, table_hbm, pe_hbm, out_hbm,
               idx_v, pe_v, g0, g1, g2, o0, o1, o2,
               gsem0, gsem1, gsem2, wsem0, wsem1, wsem2):
    wid = lax.axis_index("s") * 2 + lax.axis_index("c")
    base = wid * RPW
    s_lo = base // BATCH
    s_lo8 = pl.multiple_of(
        jnp.minimum(s_lo - lax.rem(s_lo, 8), SEQ - SROWS), 8)

    pltpu.sync_copy(idx_hbm.at[pl.ds(base, RPW)], idx_v)
    pltpu.sync_copy(pe_hbm.at[pl.ds(s_lo8, SROWS)], pe_v)

    def start_gather(t, gbuf, gsem):
        pltpu.async_copy(
            table_hbm.at[idx_v.at[pl.ds(t * STAGE, STAGE)]], gbuf, gsem)

    def wait_gather(gbuf, gsem):
        pltpu.make_async_copy(table_hbm.at[pl.ds(0, STAGE)], gbuf, gsem).wait()

    def wait_write(obuf, wsem):
        pltpu.make_async_copy(obuf, out_hbm.at[pl.ds(0, STAGE)], wsem).wait()

    def compute(t, gbuf, obuf):
        ds = (base + t * STAGE) // BATCH - s_lo8
        pe_rows = [pe_v[ds, pl.ds(LANES * j, LANES)]
                   for j in range(NINP // LANES)]

        def row(r, carry):
            for j in range(NINP // LANES):
                sl = pl.ds(LANES * j, LANES)
                obuf[r, sl] = gbuf[r, sl] * _SCALE + pe_rows[j]
            return carry

        lax.fori_loop(0, STAGE, row, 0)

    phases = ((g0, o0, gsem0, wsem0), (g1, o1, gsem1, wsem1),
              (g2, o2, gsem2, wsem2))

    for t in range(NPHASE):
        start_gather(t, phases[t][0], phases[t][2])

    def outer(i, carry):
        for p, (gbuf, obuf, gsem, wsem) in enumerate(phases):
            t = NPHASE * i + p
            wait_gather(gbuf, gsem)

            @pl.when(i > 0)
            def _():
                wait_write(obuf, wsem)

            compute(t, gbuf, obuf)

            @pl.when(t + NPHASE < NSTAGES)
            def _():
                start_gather(t + NPHASE, gbuf, gsem)

            pltpu.async_copy(obuf, out_hbm.at[pl.ds(base + t * STAGE, STAGE)],
                             wsem)
        return carry

    lax.fori_loop(0, NSTAGES // NPHASE, outer, 0)
    for p in range(NSTAGES % NPHASE):
        t = (NSTAGES // NPHASE) * NPHASE + p
        gbuf, obuf, gsem, wsem = phases[p]
        wait_gather(gbuf, gsem)
        wait_write(obuf, wsem)
        compute(t, gbuf, obuf)
        pltpu.async_copy(obuf, out_hbm.at[pl.ds(base + t * STAGE, STAGE)],
                         wsem)
    for p, (gbuf, obuf, gsem, wsem) in enumerate(phases):
        wait_write(obuf, wsem)


def kernel(src, emb_weight):
    idx = src.T.reshape(-1).astype(jnp.int32)
    out = _encode_sc(idx, emb_weight, _pe_table())
    return out.reshape(SEQ, BATCH, NINP)

# --- scband reference (transcript-rebuilt; emitter-appended) ---
"""Pipeline reference for scband-encoder-13898514170014 (READ-ONLY COPY).

The authoritative reference and input builder live on the scoring server;
editing this copy changes nothing except your own understanding.
"""

import jax, jax.numpy as jnp
import numpy as np
import math

NTOKEN = 1000000
NINP = 128
MAX_LEN = 5000

def _make_pe(max_len, d_model):
    position = jnp.arange(0, max_len, dtype=jnp.float32)[:, None]
    div_term = jnp.exp(jnp.arange(0, d_model, 2, dtype=jnp.float32) * (-math.log(10000.0) / d_model))
    pe = jnp.zeros((max_len, d_model), dtype=jnp.float32)
    pe = pe.at[:, 0::2].set(jnp.sin(position * div_term))
    pe = pe.at[:, 1::2].set(jnp.cos(position * div_term))
    # original: pe.unsqueeze(0).transpose(0,1) -> [max_len, 1, d_model]
    return pe[:, None, :]

def setup_inputs(seed: int = 0) -> dict:
    key = jax.random.key(seed)
    k1, k2 = jax.random.split(key)
    src = jax.random.randint(k1, (1024, 200), 0, NTOKEN, dtype=jnp.int64 if jax.config.jax_enable_x64 else jnp.int32)
    # embedding weight initialized uniform(-0.1, 0.1) per init_weights
    emb_weight = jax.random.uniform(k2, (NTOKEN, NINP), dtype=jnp.float32, minval=-0.1, maxval=0.1)
    return {"src": src, "emb_weight": emb_weight}

def reference(src, emb_weight):
    # src: [B, S] -> transpose -> [S, B]
    src_t = src.T
    x = jnp.take(emb_weight, src_t, axis=0) * math.sqrt(NINP)  # [S, B, NINP]
    pe = _make_pe(MAX_LEN, NINP)  # [MAX_LEN, 1, NINP]
    seq_len = x.shape[0]
    x = x + pe[:seq_len, :, :]
    # dropout in eval mode = identity
    return x

if __name__ == "__main__":
    import jax
    _d = setup_inputs()
    print(jax.jit(kernel)(*tuple(_d.values())))

</pallas_src>

<mosaic_0001>
#map = affine_map<(d0, d1) -> (0)>
#map1 = affine_map<(d0, d1) -> (0, 0)>
module attributes {stable_mosaic.version = 14 : i64} {
  func.func @_encode_sc(%arg0: i32, %arg1: i32, %arg2: memref<204800xi32, #tpu.memory_space<hbm>>, %arg3: memref<1000000x128xf32, #tpu.memory_space<hbm>>, %arg4: memref<200x128xf32, #tpu.memory_space<hbm>>, %arg5: memref<204800x128xf32, #tpu.memory_space<hbm>>, %arg6: memref<6400xi32, #tpu.memory_space<vmem>>, %arg7: memref<16x128xf32, #tpu.memory_space<vmem>>, %arg8: memref<128x128xf32, #tpu.memory_space<vmem>>, %arg9: memref<128x128xf32, #tpu.memory_space<vmem>>, %arg10: memref<128x128xf32, #tpu.memory_space<vmem>>, %arg11: memref<128x128xf32, #tpu.memory_space<vmem>>, %arg12: memref<128x128xf32, #tpu.memory_space<vmem>>, %arg13: memref<128x128xf32, #tpu.memory_space<vmem>>, %arg14: memref<!tpu.dma_semaphore, #tpu.memory_space<semaphore_mem>>, %arg15: memref<!tpu.dma_semaphore, #tpu.memory_space<semaphore_mem>>, %arg16: memref<!tpu.dma_semaphore, #tpu.memory_space<semaphore_mem>>, %arg17: memref<!tpu.dma_semaphore, #tpu.memory_space<semaphore_mem>>, %arg18: memref<!tpu.dma_semaphore, #tpu.memory_space<semaphore_mem>>, %arg19: memref<!tpu.dma_semaphore, #tpu.memory_space<semaphore_mem>>) attributes {dimension_semantics = [#tpu.dimension_semantics<core_parallel>, #tpu.dimension_semantics<subcore_parallel>], iteration_bounds = array<i64: 2, 16>, scalar_prefetch = 0 : i64, scratch_operands = 14 : i64, tpu.core_type = #tpu.core_type<sc_vector_subcore>, window_params = [{transform_indices = #map}, {transform_indices = #map1}, {transform_indices = #map1}, {transform_indices = #map1}]} {
    %mul3A = arith.constant 2 : i32
    %mul3A_0 = arith.muli %arg1, %mul3A : i32
    %add3A = arith.addi %mul3A_0, %arg0 : i32
    %mul3A_1 = arith.constant 6400 : i32
    %mul3A_2 = arith.muli %add3A, %mul3A_1 : i32
    %jit3A = arith.constant 1024 : i32
    %div3A = arith.divsi %mul3A_2, %jit3A : i32
    %sign3A = arith.constant 0 : i32
    %sign3A_3 = arith.cmpi sgt, %mul3A_2, %sign3A : i32
    %sign3A_4 = arith.extui %sign3A_3 : i1 to i32
    %sign3A_5 = arith.constant 0 : i32
    %sign3A_6 = arith.cmpi slt, %mul3A_2, %sign3A_5 : i32
    %sign3A_7 = arith.extui %sign3A_6 : i1 to i32
    %sign3A_8 = arith.subi %sign3A_4, %sign3A_7 : i32
    %sign3A_9 = arith.constant 0 : i32
    %sign3A_10 = arith.cmpi sgt, %jit3A, %sign3A_9 : i32
    %sign3A_11 = arith.extui %sign3A_10 : i1 to i32
    %sign3A_12 = arith.constant 0 : i32
    %sign3A_13 = arith.cmpi slt, %jit3A, %sign3A_12 : i32
    %sign3A_14 = arith.extui %sign3A_13 : i1 to i32
    %sign3A_15 = arith.subi %sign3A_11, %sign3A_14 : i32
    %ne3A = arith.cmpi ne, %sign3A_8, %sign3A_15 : i32
    %rem3A = arith.remsi %mul3A_2, %jit3A : i32
    %ne3A_16 = arith.constant 0 : i32
    %ne3A_17 = arith.cmpi ne, %rem3A, %ne3A_16 : i32
    %and3A = arith.andi %ne3A, %ne3A_17 : i1
    %sub3A = arith.constant 1 : i32
    %sub3A_18 = arith.subi %div3A, %sub3A : i32
    %select_n3A = arith.select %and3A, %sub3A_18, %div3A : i32
    %rem3A_19 = arith.constant 8 : i32
    %rem3A_20 = arith.remsi %select_n3A, %rem3A_19 : i32
    %sub3A_21 = arith.subi %select_n3A, %rem3A_20 : i32
    %min3A = arith.constant 184 : i32
    %min3A_22 = arith.minsi %sub3A_21, %min3A : i32
    %multiple_of3A = tpu.assume_multiple %min3A_22, 8 : i32
    "tpu.region"() ({
      %run_scoped3A = tpu.sem_alloc : memref<!tpu.dma_semaphore, #tpu.memory_space<semaphore_mem>>
      %dma_start3A_224 = tpu.memref_slice %arg2[%mul3A_2] : memref<204800xi32, #tpu.memory_space<hbm>> -> memref<6400xi32, #tpu.memory_space<hbm>>
      %dma_start3A_225 = tpu.memref_slice %arg2[%mul3A_2] : memref<204800xi32, #tpu.memory_space<hbm>> -> memref<6400xi32, #tpu.memory_space<hbm>>
      tpu.enqueue_dma source(%dma_start3A_225 : memref<6400xi32, #tpu.memory_space<hbm>>) target(%arg6 : memref<6400xi32, #tpu.memory_space<vmem>>) target_semaphore(%run_scoped3A : memref<!tpu.dma_semaphore, #tpu.memory_space<semaphore_mem>>)
      %dma_wait3A_226 = tpu.memref_slice %arg2[%mul3A_2] : memref<204800xi32, #tpu.memory_space<hbm>> -> memref<6400xi32, #tpu.memory_space<hbm>>
      %dma_wait3A_227 = tpu.memref_slice %arg2[%mul3A_2] : memref<204800xi32, #tpu.memory_space<hbm>> -> memref<6400xi32, #tpu.memory_space<hbm>>
      tpu.wait_dma2 semaphore(%run_scoped3A : memref<!tpu.dma_semaphore, #tpu.memory_space<semaphore_mem>>) src(%dma_wait3A_227 : memref<6400xi32, #tpu.memory_space<hbm>>) dst(%arg6 : memref<6400xi32, #tpu.memory_space<vmem>>)
      tpu.yield
    }) : () -> ()
    "tpu.region"() ({
      %run_scoped3A = tpu.sem_alloc : memref<!tpu.dma_semaphore, #tpu.memory_space<semaphore_mem>>
      %dma_start3A_224 = arith.constant 0 : i32
      %dma_start3A_225 = tpu.memref_slice %arg4[%multiple_of3A, %dma_start3A_224] : memref<200x128xf32, #tpu.memory_space<hbm>> -> memref<16x128xf32, #tpu.memory_space<hbm>>
      %dma_start3A_226 = arith.constant 0 : i32
      %dma_start3A_227 = tpu.memref_slice %arg4[%multiple_of3A, %dma_start3A_226] : memref<200x128xf32, #tpu.memory_space<hbm>> -> memref<16x128xf32, #tpu.memory_space<hbm>>
      tpu.enqueue_dma source(%dma_start3A_227 : memref<16x128xf32, #tpu.memory_space<hbm>>) target(%arg7 : memref<16x128xf32, #tpu.memory_space<vmem>>) target_semaphore(%run_scoped3A : memref<!tpu.dma_semaphore, #tpu.memory_space<semaphore_mem>>)
      %dma_wait3A_228 = arith.constant 0 : i32
      %dma_wait3A_229 = tpu.memref_slice %arg4[%multiple_of3A, %dma_wait3A_228] : memref<200x128xf32, #tpu.memory_space<hbm>> -> memref<16x128xf32, #tpu.memory_space<hbm>>
      %dma_wait3A_230 = arith.constant 0 : i32
      %dma_wait3A_231 = tpu.memref_slice %arg4[%multiple_of3A, %dma_wait3A_230] : memref<200x128xf32, #tpu.memory_space<hbm>> -> memref<16x128xf32, #tpu.memory_space<hbm>>
      tpu.wait_dma2 semaphore(%run_scoped3A : memref<!tpu.dma_semaphore, #tpu.memory_space<semaphore_mem>>) src(%dma_wait3A_231 : memref<16x128xf32, #tpu.memory_space<hbm>>) dst(%arg7 : memref<16x128xf32, #tpu.memory_space<vmem>>)
      tpu.yield
    }) : () -> ()
    %dma_start3A = arith.constant 0 : i32
    %dma_start3A_23 = tpu.memref_slice %arg6[%dma_start3A] : memref<6400xi32, #tpu.memory_space<vmem>> -> memref<128xi32, #tpu.memory_space<vmem>>
    %dma_start3A_24 = arith.constant 0 : i32
    %dma_start3A_25 = arith.constant 0 : i32
    %dma_start3A_26 = tpu.memref_slice %arg3[%dma_start3A_24, %dma_start3A_25] : memref<1000000x128xf32, #tpu.memory_space<hbm>> -> memref<1000000x128xf32, #tpu.memory_space<hbm>>
    tpu.enqueue_indirect_dma source(%dma_start3A_26 : memref<1000000x128xf32, #tpu.memory_space<hbm>>) target(%arg8 : memref<128x128xf32, #tpu.memory_space<vmem>>) offsets(%dma_start3A_23 : memref<128xi32, #tpu.memory_space<vmem>>) semaphore(%arg14 : memref<!tpu.dma_semaphore, #tpu.memory_space<semaphore_mem>>)
    %dma_start3A_27 = arith.constant 128 : i32
    %dma_start3A_28 = tpu.memref_slice %arg6[%dma_start3A_27] : memref<6400xi32, #tpu.memory_space<vmem>> -> memref<128xi32, #tpu.memory_space<vmem>>
    %dma_start3A_29 = arith.constant 0 : i32
    %dma_start3A_30 = arith.constant 0 : i32
    %dma_start3A_31 = tpu.memref_slice %arg3[%dma_start3A_29, %dma_start3A_30] : memref<1000000x128xf32, #tpu.memory_space<hbm>> -> memref<1000000x128xf32, #tpu.memory_space<hbm>>
    tpu.enqueue_indirect_dma source(%dma_start3A_31 : memref<1000000x128xf32, #tpu.memory_space<hbm>>) target(%arg9 : memref<128x128xf32, #tpu.memory_space<vmem>>) offsets(%dma_start3A_28 : memref<128xi32, #tpu.memory_space<vmem>>) semaphore(%arg15 : memref<!tpu.dma_semaphore, #tpu.memory_space<semaphore_mem>>)
    %dma_start3A_32 = arith.constant 256 : i32
    %dma_start3A_33 = tpu.memref_slice %arg6[%dma_start3A_32] : memref<6400xi32, #tpu.memory_space<vmem>> -> memref<128xi32, #tpu.memory_space<vmem>>
    %dma_start3A_34 = arith.constant 0 : i32
    %dma_start3A_35 = arith.constant 0 : i32
    %dma_start3A_36 = tpu.memref_slice %arg3[%dma_start3A_34, %dma_start3A_35] : memref<1000000x128xf32, #tpu.memory_space<hbm>> -> memref<1000000x128xf32, #tpu.memory_space<hbm>>
    tpu.enqueue_indirect_dma source(%dma_start3A_36 : memref<1000000x128xf32, #tpu.memory_space<hbm>>) target(%arg10 : memref<128x128xf32, #tpu.memory_space<vmem>>) offsets(%dma_start3A_33 : memref<128xi32, #tpu.memory_space<vmem>>) semaphore(%arg16 : memref<!tpu.dma_semaphore, #tpu.memory_space<semaphore_mem>>)
    %scan3A = arith.constant 0 : i32
    %scan3A_37 = arith.constant 0 : i32
    %scan3A_38 = arith.constant 16 : i32
    %scan3A_39 = arith.addi %scan3A_37, %scan3A_38 : i32
    %scan3A_40 = arith.constant 1 : i32
    scf.for %scan3A_224 = %scan3A_37 to %scan3A_39 step %scan3A_40  : i32 {
      %mul3A_225 = arith.constant 3 : i32
      %mul3A_226 = arith.muli %mul3A_225, %scan3A_224 : i32
      %add3A_227 = arith.constant 0 : i32
      %add3A_228 = arith.addi %mul3A_226, %add3A_227 : i32
      %dma_wait3A_229 = arith.constant 0 : i32
      %dma_wait3A_230 = arith.constant 0 : i32
      %dma_wait3A_231 = tpu.memref_slice %arg3[%dma_wait3A_229, %dma_wait3A_230] : memref<1000000x128xf32, #tpu.memory_space<hbm>> -> memref<128x128xf32, #tpu.memory_space<hbm>>
      %dma_wait3A_232 = arith.constant 0 : i32
      %dma_wait3A_233 = arith.constant 0 : i32
      %dma_wait3A_234 = tpu.memref_slice %arg3[%dma_wait3A_232, %dma_wait3A_233] : memref<1000000x128xf32, #tpu.memory_space<hbm>> -> memref<128x128xf32, #tpu.memory_space<hbm>>
      tpu.wait_dma2 semaphore(%arg14 : memref<!tpu.dma_semaphore, #tpu.memory_space<semaphore_mem>>) src(%dma_wait3A_234 : memref<128x128xf32, #tpu.memory_space<hbm>>) dst(%arg8 : memref<128x128xf32, #tpu.memory_space<vmem>>)
      %gt3A = arith.constant 0 : i32
      %gt3A_235 = arith.cmpi sgt, %scan3A_224, %gt3A : i32
      %convert_element_type3A = arith.extui %gt3A_235 : i1 to i32
      %cond3A = arith.constant 0 : i32
      %cond3A_236 = arith.cmpi ne, %convert_element_type3A, %cond3A : i32
      scf.if %cond3A_236 {
        %dma_wait3A_506 = arith.constant 0 : i32
        %dma_wait3A_507 = arith.constant 0 : i32
        %dma_wait3A_508 = tpu.memref_slice %arg5[%dma_wait3A_506, %dma_wait3A_507] : memref<204800x128xf32, #tpu.memory_space<hbm>> -> memref<128x128xf32, #tpu.memory_space<hbm>>
        %dma_wait3A_509 = arith.constant 0 : i32
        %dma_wait3A_510 = arith.constant 0 : i32
        %dma_wait3A_511 = tpu.memref_slice %arg5[%dma_wait3A_509, %dma_wait3A_510] : memref<204800x128xf32, #tpu.memory_space<hbm>> -> memref<128x128xf32, #tpu.memory_space<hbm>>
        tpu.wait_dma2 semaphore(%arg17 : memref<!tpu.dma_semaphore, #tpu.memory_space<semaphore_mem>>) src(%arg11 : memref<128x128xf32, #tpu.memory_space<vmem>>) dst(%dma_wait3A_511 : memref<128x128xf32, #tpu.memory_space<hbm>>)
      } else {
      }
      %mul3A_237 = arith.constant 128 : i32
      %mul3A_238 = arith.muli %add3A_228, %mul3A_237 : i32
      %add3A_239 = arith.addi %mul3A_2, %mul3A_238 : i32
      %jit3A_240 = arith.constant 1024 : i32
      %div3A_241 = arith.divsi %add3A_239, %jit3A_240 : i32
      %sign3A_242 = arith.constant 0 : i32
      %sign3A_243 = arith.cmpi sgt, %add3A_239, %sign3A_242 : i32
      %sign3A_244 = arith.extui %sign3A_243 : i1 to i32
      %sign3A_245 = arith.constant 0 : i32
      %sign3A_246 = arith.cmpi slt, %add3A_239, %sign3A_245 : i32
      %sign3A_247 = arith.extui %sign3A_246 : i1 to i32
      %sign3A_248 = arith.subi %sign3A_244, %sign3A_247 : i32
      %sign3A_249 = arith.constant 0 : i32
      %sign3A_250 = arith.cmpi sgt, %jit3A_240, %sign3A_249 : i32
      %sign3A_251 = arith.extui %sign3A_250 : i1 to i32
      %sign3A_252 = arith.constant 0 : i32
      %sign3A_253 = arith.cmpi slt, %jit3A_240, %sign3A_252 : i32
      %sign3A_254 = arith.extui %sign3A_253 : i1 to i32
      %sign3A_255 = arith.subi %sign3A_251, %sign3A_254 : i32
      %ne3A_256 = arith.cmpi ne, %sign3A_248, %sign3A_255 : i32
      %rem3A_257 = arith.remsi %add3A_239, %jit3A_240 : i32
      %ne3A_258 = arith.constant 0 : i32
      %ne3A_259 = arith.cmpi ne, %rem3A_257, %ne3A_258 : i32
      %and3A_260 = arith.andi %ne3A_256, %ne3A_259 : i1
      %sub3A_261 = arith.constant 1 : i32
      %sub3A_262 = arith.subi %div3A_241, %sub3A_261 : i32
      %select_n3A_263 = arith.select %and3A_260, %sub3A_262, %div3A_241 : i32
      %sub3A_264 = arith.subi %select_n3A_263, %multiple_of3A : i32
      %get3A_265 = arith.index_cast %sub3A_264 : i32 to index
      %get3A_266 = arith.constant 0 : index
      %get3A_267 = tpu.vector_load %arg7[%get3A_265, %get3A_266] {strides = array<i32>} : memref<16x128xf32, #tpu.memory_space<vmem>>, vector<1x16xf32>,
      %get3A_268 = vector.shape_cast %get3A_267 : vector<1x16xf32> to vector<16xf32>
      %get3A_269 = arith.index_cast %sub3A_264 : i32 to index
      %get3A_270 = arith.constant 16 : index
      %get3A_271 = tpu.vector_load %arg7[%get3A_269, %get3A_270] {strides = array<i32>} : memref<16x128xf32, #tpu.memory_space<vmem>>, vector<1x16xf32>,
      %get3A_272 = vector.shape_cast %get3A_271 : vector<1x16xf32> to vector<16xf32>
      %get3A_273 = arith.index_cast %sub3A_264 : i32 to index
      %get3A_274 = arith.constant 32 : index
      %get3A_275 = tpu.vector_load %arg7[%get3A_273, %get3A_274] {strides = array<i32>} : memref<16x128xf32, #tpu.memory_space<vmem>>, vector<1x16xf32>,
      %get3A_276 = vector.shape_cast %get3A_275 : vector<1x16xf32> to vector<16xf32>
      %get3A_277 = arith.index_cast %sub3A_264 : i32 to index
      %get3A_278 = arith.constant 48 : index
      %get3A_279 = tpu.vector_load %arg7[%get3A_277, %get3A_278] {strides = array<i32>} : memref<16x128xf32, #tpu.memory_space<vmem>>, vector<1x16xf32>,
      %get3A_280 = vector.shape_cast %get3A_279 : vector<1x16xf32> to vector<16xf32>
      %get3A_281 = arith.index_cast %sub3A_264 : i32 to index
      %get3A_282 = arith.constant 64 : index
      %get3A_283 = tpu.vector_load %arg7[%get3A_281, %get3A_282] {strides = array<i32>} : memref<16x128xf32, #tpu.memory_space<vmem>>, vector<1x16xf32>,
      %get3A_284 = vector.shape_cast %get3A_283 : vector<1x16xf32> to vector<16xf32>
      %get3A_285 = arith.index_cast %sub3A_264 : i32 to index
      %get3A_286 = arith.constant 80 : index
      %get3A_287 = tpu.vector_load %arg7[%get3A_285, %get3A_286] {strides = array<i32>} : memref<16x128xf32, #tpu.memory_space<vmem>>, vector<1x16xf32>,
      %get3A_288 = vector.shape_cast %get3A_287 : vector<1x16xf32> to vector<16xf32>
      %get3A_289 = arith.index_cast %sub3A_264 : i32 to index
      %get3A_290 = arith.constant 96 : index
      %get3A_291 = tpu.vector_load %arg7[%get3A_289, %get3A_290] {strides = array<i32>} : memref<16x128xf32, #tpu.memory_space<vmem>>, vector<1x16xf32>,
      %get3A_292 = vector.shape_cast %get3A_291 : vector<1x16xf32> to vector<16xf32>
      %get3A_293 = arith.index_cast %sub3A_264 : i32 to index
      %get3A_294 = arith.constant 112 : index
      %get3A_295 = tpu.vector_load %arg7[%get3A_293, %get3A_294] {strides = array<i32>} : memref<16x128xf32, #tpu.memory_space<vmem>>, vector<1x16xf32>,
      %get3A_296 = vector.shape_cast %get3A_295 : vector<1x16xf32> to vector<16xf32>
      %scan3A_297 = arith.constant 0 : i32
      %scan3A_298 = arith.constant 0 : i32
      %scan3A_299 = arith.constant 128 : i32
      %scan3A_300 = arith.addi %scan3A_298, %scan3A_299 : i32
      %scan3A_301 = arith.constant 1 : i32
      scf.for %scan3A_506 = %scan3A_298 to %scan3A_300 step %scan3A_301  : i32 {
        %get3A_507 = arith.index_cast %scan3A_506 : i32 to index
        %get3A_508 = arith.constant 0 : index
        %get3A_509 = tpu.vector_load %arg8[%get3A_507, %get3A_508] {strides = array<i32>} : memref<128x128xf32, #tpu.memory_space<vmem>>, vector<1x16xf32>,
        %get3A_510 = vector.shape_cast %get3A_509 : vector<1x16xf32> to vector<16xf32>
        %mul3A_511 = arith.constant 11.3137083 : f32
        %mul3A_512 = vector.broadcast %mul3A_511 : f32 to vector<16xf32>
        %mul3A_513 = arith.mulf %get3A_510, %mul3A_512 : vector<16xf32>
        %add3A_514 = arith.addf %mul3A_513, %get3A_268 : vector<16xf32>
        %swap3A = arith.index_cast %scan3A_506 : i32 to index
        %swap3A_515 = arith.constant 0 : index
        %swap3A_516 = tpu.vector_load %arg11[%swap3A, %swap3A_515] {strides = array<i32>} : memref<128x128xf32, #tpu.memory_space<vmem>>, vector<1x16xf32>,
        %swap3A_517 = vector.shape_cast %swap3A_516 : vector<1x16xf32> to vector<16xf32>
        %swap3A_518 = vector.shape_cast %add3A_514 : vector<16xf32> to vector<1x16xf32>
        tpu.vector_store %arg11[%swap3A, %swap3A_515], %swap3A_518 {strides = array<i32>} : memref<128x128xf32, #tpu.memory_space<vmem>>, vector<1x16xf32>,
        %get3A_519 = arith.index_cast %scan3A_506 : i32 to index
        %get3A_520 = arith.constant 16 : index
        %get3A_521 = tpu.vector_load %arg8[%get3A_519, %get3A_520] {strides = array<i32>} : memref<128x128xf32, #tpu.memory_space<vmem>>, vector<1x16xf32>,
        %get3A_522 = vector.shape_cast %get3A_521 : vector<1x16xf32> to vector<16xf32>
        %mul3A_523 = arith.constant 11.3137083 : f32
        %mul3A_524 = vector.broadcast %mul3A_523 : f32 to vector<16xf32>
        %mul3A_525 = arith.mulf %get3A_522, %mul3A_524 : vector<16xf32>
        %add3A_526 = arith.addf %mul3A_525, %get3A_272 : vector<16xf32>
        %swap3A_527 = arith.index_cast %scan3A_506 : i32 to index
        %swap3A_528 = arith.constant 16 : index
        %swap3A_529 = tpu.vector_load %arg11[%swap3A_527, %swap3A_528] {strides = array<i32>} : memref<128x128xf32, #tpu.memory_space<vmem>>, vector<1x16xf32>,
        %swap3A_530 = vector.shape_cast %swap3A_529 : vector<1x16xf32> to vector<16xf32>
        %swap3A_531 = vector.shape_cast %add3A_526 : vector<16xf32> to vector<1x16xf32>
        tpu.vector_store %arg11[%swap3A_527, %swap3A_528], %swap3A_531 {strides = array<i32>} : memref<128x128xf32, #tpu.memory_space<vmem>>, vector<1x16xf32>,
        %get3A_532 = arith.index_cast %scan3A_506 : i32 to index
        %get3A_533 = arith.constant 32 : index
        %get3A_534 = tpu.vector_load %arg8[%get3A_532, %get3A_533] {strides = array<i32>} : memref<128x128xf32, #tpu.memory_space<vmem>>, vector<1x16xf32>,
        %get3A_535 = vector.shape_cast %get3A_534 : vector<1x16xf32> to vector<16xf32>
        %mul3A_536 = arith.constant 11.3137083 : f32
        %mul3A_537 = vector.broadcast %mul3A_536 : f32 to vector<16xf32>
        %mul3A_538 = arith.mulf %get3A_535, %mul3A_537 : vector<16xf32>
        %add3A_539 = arith.addf %mul3A_538, %get3A_276 : vector<16xf32>
        %swap3A_540 = arith.index_cast %scan3A_506 : i32 to index
        %swap3A_541 = arith.constant 32 : index
        %swap3A_542 = tpu.vector_load %arg11[%swap3A_540, %swap3A_541] {strides = array<i32>} : memref<128x128xf32, #tpu.memory_space<vmem>>, vector<1x16xf32>,
        %swap3A_543 = vector.shape_cast %swap3A_542 : vector<1x16xf32> to vector<16xf32>
        %swap3A_544 = vector.shape_cast %add3A_539 : vector<16xf32> to vector<1x16xf32>
        tpu.vector_store %arg11[%swap3A_540, %swap3A_541], %swap3A_544 {strides = array<i32>} : memref<128x128xf32, #tpu.memory_space<vmem>>, vector<1x16xf32>,
        %get3A_545 = arith.index_cast %scan3A_506 : i32 to index
        %get3A_546 = arith.constant 48 : index
        %get3A_547 = tpu.vector_load %arg8[%get3A_545, %get3A_546] {strides = array<i32>} : memref<128x128xf32, #tpu.memory_space<vmem>>, vector<1x16xf32>,
        %get3A_548 = vector.shape_cast %get3A_547 : vector<1x16xf32> to vector<16xf32>
        %mul3A_549 = arith.constant 11.3137083 : f32
        %mul3A_550 = vector.broadcast %mul3A_549 : f32 to vector<16xf32>
        %mul3A_551 = arith.mulf %get3A_548, %mul3A_550 : vector<16xf32>
        %add3A_552 = arith.addf %mul3A_551, %get3A_280 : vector<16xf32>
        %swap3A_553 = arith.index_cast %scan3A_506 : i32 to index
        %swap3A_554 = arith.constant 48 : index
        %swap3A_555 = tpu.vector_load %arg11[%swap3A_553, %swap3A_554] {strides = array<i32>} : memref<128x128xf32, #tpu.memory_space<vmem>>, vector<1x16xf32>,
        %swap3A_556 = vector.shape_cast %swap3A_555 : vector<1x16xf32> to vector<16xf32>
        %swap3A_557 = vector.shape_cast %add3A_552 : vector<16xf32> to vector<1x16xf32>
        tpu.vector_store %arg11[%swap3A_553, %swap3A_554], %swap3A_557 {strides = array<i32>} : memref<128x128xf32, #tpu.memory_space<vmem>>, vector<1x16xf32>,
        %get3A_558 = arith.index_cast %scan3A_506 : i32 to index
        %get3A_559 = arith.constant 64 : index
        %get3A_560 = tpu.vector_load %arg8[%get3A_558, %get3A_559] {strides = array<i32>} : memref<128x128xf32, #tpu.memory_space<vmem>>, vector<1x16xf32>,
        %get3A_561 = vector.shape_cast %get3A_560 : vector<1x16xf32> to vector<16xf32>
        %mul3A_562 = arith.constant 11.3137083 : f32
        %mul3A_563 = vector.broadcast %mul3A_562 : f32 to vector<16xf32>
        %mul3A_564 = arith.mulf %get3A_561, %mul3A_563 : vector<16xf32>
        %add3A_565 = arith.addf %mul3A_564, %get3A_284 : vector<16xf32>
        %swap3A_566 = arith.index_cast %scan3A_506 : i32 to index
        %swap3A_567 = arith.constant 64 : index
        %swap3A_568 = tpu.vector_load %arg11[%swap3A_566, %swap3A_567] {strides = array<i32>} : memref<128x128xf32, #tpu.memory_space<vmem>>, vector<1x16xf32>,
        %swap3A_569 = vector.shape_cast %swap3A_568 : vector<1x16xf32> to vector<16xf32>
        %swap3A_570 = vector.shape_cast %add3A_565 : vector<16xf32> to vector<1x16xf32>
        tpu.vector_store %arg11[%swap3A_566, %swap3A_567], %swap3A_570 {strides = array<i32>} : memref<128x128xf32, #tpu.memory_space<vmem>>, vector<1x16xf32>,
        %get3A_571 = arith.index_cast %scan3A_506 : i32 to index
        %get3A_572 = arith.constant 80 : index
        %get3A_573 = tpu.vector_load %arg8[%get3A_571, %get3A_572] {strides = array<i32>} : memref<128x128xf32, #tpu.memory_space<vmem>>, vector<1x16xf32>,
        %get3A_574 = vector.shape_cast %get3A_573 : vector<1x16xf32> to vector<16xf32>
        %mul3A_575 = arith.constant 11.3137083 : f32
        %mul3A_576 = vector.broadcast %mul3A_575 : f32 to vector<16xf32>
        %mul3A_577 = arith.mulf %get3A_574, %mul3A_576 : vector<16xf32>
        %add3A_578 = arith.addf %mul3A_577, %get3A_288 : vector<16xf32>
        %swap3A_579 = arith.index_cast %scan3A_506 : i32 to index
        %swap3A_580 = arith.constant 80 : index
        %swap3A_581 = tpu.vector_load %arg11[%swap3A_579, %swap3A_580] {strides = array<i32>} : memref<128x128xf32, #tpu.memory_space<vmem>>, vector<1x16xf32>,
        %swap3A_582 = vector.shape_cast %swap3A_581 : vector<1x16xf32> to vector<16xf32>
        %swap3A_583 = vector.shape_cast %add3A_578 : vector<16xf32> to vector<1x16xf32>
        tpu.vector_store %arg11[%swap3A_579, %swap3A_580], %swap3A_583 {strides = array<i32>} : memref<128x128xf32, #tpu.memory_space<vmem>>, vector<1x16xf32>,
        %get3A_584 = arith.index_cast %scan3A_506 : i32 to index
        %get3A_585 = arith.constant 96 : index
        %get3A_586 = tpu.vector_load %arg8[%get3A_584, %get3A_585] {strides = array<i32>} : memref<128x128xf32, #tpu.memory_space<vmem>>, vector<1x16xf32>,
        %get3A_587 = vector.shape_cast %get3A_586 : vector<1x16xf32> to vector<16xf32>
        %mul3A_588 = arith.constant 11.3137083 : f32
        %mul3A_589 = vector.broadcast %mul3A_588 : f32 to vector<16xf32>
        %mul3A_590 = arith.mulf %get3A_587, %mul3A_589 : vector<16xf32>
        %add3A_591 = arith.addf %mul3A_590, %get3A_292 : vector<16xf32>
        %swap3A_592 = arith.index_cast %scan3A_506 : i32 to index
        %swap3A_593 = arith.constant 96 : index
        %swap3A_594 = tpu.vector_load %arg11[%swap3A_592, %swap3A_593] {strides = array<i32>} : memref<128x128xf32, #tpu.memory_space<vmem>>, vector<1x16xf32>,
        %swap3A_595 = vector.shape_cast %swap3A_594 : vector<1x16xf32> to vector<16xf32>
        %swap3A_596 = vector.shape_cast %add3A_591 : vector<16xf32> to vector<1x16xf32>
        tpu.vector_store %arg11[%swap3A_592, %swap3A_593], %swap3A_596 {strides = array<i32>} : memref<128x128xf32, #tpu.memory_space<vmem>>, vector<1x16xf32>,
        %get3A_597 = arith.index_cast %scan3A_506 : i32 to index
        %get3A_598 = arith.constant 112 : index
        %get3A_599 = tpu.vector_load %arg8[%get3A_597, %get3A_598] {strides = array<i32>} : memref<128x128xf32, #tpu.memory_space<vmem>>, vector<1x16xf32>,
        %get3A_600 = vector.shape_cast %get3A_599 : vector<1x16xf32> to vector<16xf32>
        %mul3A_601 = arith.constant 11.3137083 : f32
        %mul3A_602 = vector.broadcast %mul3A_601 : f32 to vector<16xf32>
        %mul3A_603 = arith.mulf %get3A_600, %mul3A_602 : vector<16xf32>
        %add3A_604 = arith.addf %mul3A_603, %get3A_296 : vector<16xf32>
        %swap3A_605 = arith.index_cast %scan3A_506 : i32 to index
        %swap3A_606 = arith.constant 112 : index
        %swap3A_607 = tpu.vector_load %arg11[%swap3A_605, %swap3A_606] {strides = array<i32>} : memref<128x128xf32, #tpu.memory_space<vmem>>, vector<1x16xf32>,
        %swap3A_608 = vector.shape_cast %swap3A_607 : vector<1x16xf32> to vector<16xf32>
        %swap3A_609 = vector.shape_cast %add3A_604 : vector<16xf32> to vector<1x16xf32>
        tpu.vector_store %arg11[%swap3A_605, %swap3A_606], %swap3A_609 {strides = array<i32>} : memref<128x128xf32, #tpu.memory_space<vmem>>, vector<1x16xf32>,
      }
      %scan3A_302 = arith.constant 128 : i32
      %add3A_303 = arith.constant 3 : i32
      %add3A_304 = arith.addi %add3A_228, %add3A_303 : i32
      %lt3A = arith.constant 50 : i32
      %lt3A_305 = arith.cmpi slt, %add3A_304, %lt3A : i32
      %convert_element_type3A_306 = arith.extui %lt3A_305 : i1 to i32
      %cond3A_307 = arith.constant 0 : i32
      %cond3A_308 = arith.cmpi ne, %convert_element_type3A_306, %cond3A_307 : i32
      scf.if %cond3A_308 {
        %add3A_506 = arith.constant 3 : i32
        %add3A_507 = arith.addi %add3A_228, %add3A_506 : i32
        %mul3A_508 = arith.constant 128 : i32
        %mul3A_509 = arith.muli %add3A_507, %mul3A_508 : i32
        %dma_start3A_510 = tpu.memref_slice %arg6[%mul3A_509] : memref<6400xi32, #tpu.memory_space<vmem>> -> memref<128xi32, #tpu.memory_space<vmem>>
        %dma_start3A_511 = arith.constant 0 : i32
        %dma_start3A_512 = arith.constant 0 : i32
        %dma_start3A_513 = tpu.memref_slice %arg3[%dma_start3A_511, %dma_start3A_512] : memref<1000000x128xf32, #tpu.memory_space<hbm>> -> memref<1000000x128xf32, #tpu.memory_space<hbm>>
        tpu.enqueue_indirect_dma source(%dma_start3A_513 : memref<1000000x128xf32, #tpu.memory_space<hbm>>) target(%arg8 : memref<128x128xf32, #tpu.memory_space<vmem>>) offsets(%dma_start3A_510 : memref<128xi32, #tpu.memory_space<vmem>>) semaphore(%arg14 : memref<!tpu.dma_semaphore, #tpu.memory_space<semaphore_mem>>)
      } else {
      }
      %mul3A_309 = arith.constant 128 : i32
      %mul3A_310 = arith.muli %add3A_228, %mul3A_309 : i32
      %add3A_311 = arith.addi %mul3A_2, %mul3A_310 : i32
      %dma_start3A_312 = arith.constant 0 : i32
      %dma_start3A_313 = tpu.memref_slice %arg5[%add3A_311, %dma_start3A_312] : memref<204800x128xf32, #tpu.memory_space<hbm>> -> memref<128x128xf32, #tpu.memory_space<hbm>>
      %dma_start3A_314 = arith.constant 0 : i32
      %dma_start3A_315 = tpu.memref_slice %arg5[%add3A_311, %dma_start3A_314] : memref<204800x128xf32, #tpu.memory_space<hbm>> -> memref<128x128xf32, #tpu.memory_space<hbm>>
      tpu.enqueue_dma source(%arg11 : memref<128x128xf32, #tpu.memory_space<vmem>>) target(%dma_start3A_315 : memref<128x128xf32, #tpu.memory_space<hbm>>) target_semaphore(%arg17 : memref<!tpu.dma_semaphore, #tpu.memory_space<semaphore_mem>>)
      %mul3A_316 = arith.constant 3 : i32
      %mul3A_317 = arith.muli %mul3A_316, %scan3A_224 : i32
      %add3A_318 = arith.constant 1 : i32
      %add3A_319 = arith.addi %mul3A_317, %add3A_318 : i32
      %dma_wait3A_320 = arith.constant 0 : i32
      %dma_wait3A_321 = arith.constant 0 : i32
      %dma_wait3A_322 = tpu.memref_slice %arg3[%dma_wait3A_320, %dma_wait3A_321] : memref<1000000x128xf32, #tpu.memory_space<hbm>> -> memref<128x128xf32, #tpu.memory_space<hbm>>
      %dma_wait3A_323 = arith.constant 0 : i32
      %dma_wait3A_324 = arith.constant 0 : i32
      %dma_wait3A_325 = tpu.memref_slice %arg3[%dma_wait3A_323, %dma_wait3A_324] : memref<1000000x128xf32, #tpu.memory_space<hbm>> -> memref<128x128xf32, #tpu.memory_space<hbm>>
      tpu.wait_dma2 semaphore(%arg15 : memref<!tpu.dma_semaphore, #tpu.memory_space<semaphore_mem>>) src(%dma_wait3A_325 : memref<128x128xf32, #tpu.memory_space<hbm>>) dst(%arg9 : memref<128x128xf32, #tpu.memory_space<vmem>>)
      %gt3A_326 = arith.constant 0 : i32
      %gt3A_327 = arith.cmpi sgt, %scan3A_224, %gt3A_326 : i32
      %convert_element_type3A_328 = arith.extui %gt3A_327 : i1 to i32
      %cond3A_329 = arith.constant 0 : i32
      %cond3A_330 = arith.cmpi ne, %convert_element_type3A_328, %cond3A_329 : i32
      scf.if %cond3A_330 {
        %dma_wait3A_506 = arith.constant 0 : i32
        %dma_wait3A_507 = arith.constant 0 : i32
        %dma_wait3A_508 = tpu.memref_slice %arg5[%dma_wait3A_506, %dma_wait3A_507] : memref<204800x128xf32, #tpu.memory_space<hbm>> -> memref<128x128xf32, #tpu.memory_space<hbm>>
        %dma_wait3A_509 = arith.constant 0 : i32
        %dma_wait3A_510 = arith.constant 0 : i32
        %dma_wait3A_511 = tpu.memref_slice %arg5[%dma_wait3A_509, %dma_wait3A_510] : memref<204800x128xf32, #tpu.memory_space<hbm>> -> memref<128x128xf32, #tpu.memory_space<hbm>>
        tpu.wait_dma2 semaphore(%arg18 : memref<!tpu.dma_semaphore, #tpu.memory_space<semaphore_mem>>) src(%arg12 : memref<128x128xf32, #tpu.memory_space<vmem>>) dst(%dma_wait3A_511 : memref<128x128xf32, #tpu.memory_space<hbm>>)
      } else {
      }
      %mul3A_331 = arith.constant 128 : i32
      %mul3A_332 = arith.muli %add3A_319, %mul3A_331 : i32
      %add3A_333 = arith.addi %mul3A_2, %mul3A_332 : i32
      %jit3A_334 = arith.constant 1024 : i32
      %div3A_335 = arith.divsi %add3A_333, %jit3A_334 : i32
      %sign3A_336 = arith.constant 0 : i32
      %sign3A_337 = arith.cmpi sgt, %add3A_333, %sign3A_336 : i32
      %sign3A_338 = arith.extui %sign3A_337 : i1 to i32
      %sign3A_339 = arith.constant 0 : i32
      %sign3A_340 = arith.cmpi slt, %add3A_333, %sign3A_339 : i32
      %sign3A_341 = arith.extui %sign3A_340 : i1 to i32
      %sign3A_342 = arith.subi %sign3A_338, %sign3A_341 : i32
      %sign3A_343 = arith.constant 0 : i32
      %sign3A_344 = arith.cmpi sgt, %jit3A_334, %sign3A_343 : i32
      %sign3A_345 = arith.extui %sign3A_344 : i1 to i32
      %sign3A_346 = arith.constant 0 : i32
      %sign3A_347 = arith.cmpi slt, %jit3A_334, %sign3A_346 : i32
      %sign3A_348 = arith.extui %sign3A_347 : i1 to i32
      %sign3A_349 = arith.subi %sign3A_345, %sign3A_348 : i32
      %ne3A_350 = arith.cmpi ne, %sign3A_342, %sign3A_349 : i32
      %rem3A_351 = arith.remsi %add3A_333, %jit3A_334 : i32
      %ne3A_352 = arith.constant 0 : i32
      %ne3A_353 = arith.cmpi ne, %rem3A_351, %ne3A_352 : i32
      %and3A_354 = arith.andi %ne3A_350, %ne3A_353 : i1
      %sub3A_355 = arith.constant 1 : i32
      %sub3A_356 = arith.subi %div3A_335, %sub3A_355 : i32
      %select_n3A_357 = arith.select %and3A_354, %sub3A_356, %div3A_335 : i32
      %sub3A_358 = arith.subi %select_n3A_357, %multiple_of3A : i32
      %get3A_359 = arith.index_cast %sub3A_358 : i32 to index
      %get3A_360 = arith.constant 0 : index
      %get3A_361 = tpu.vector_load %arg7[%get3A_359, %get3A_360] {strides = array<i32>} : memref<16x128xf32, #tpu.memory_space<vmem>>, vector<1x16xf32>,
      %get3A_362 = vector.shape_cast %get3A_361 : vector<1x16xf32> to vector<16xf32>
      %get3A_363 = arith.index_cast %sub3A_358 : i32 to index
      %get3A_364 = arith.constant 16 : index
      %get3A_365 = tpu.vector_load %arg7[%get3A_363, %get3A_364] {strides = array<i32>} : memref<16x128xf32, #tpu.memory_space<vmem>>, vector<1x16xf32>,
      %get3A_366 = vector.shape_cast %get3A_365 : vector<1x16xf32> to vector<16xf32>
      %get3A_367 = arith.index_cast %sub3A_358 : i32 to index
      %get3A_368 = arith.constant 32 : index
      %get3A_369 = tpu.vector_load %arg7[%get3A_367, %get3A_368] {strides = array<i32>} : memref<16x128xf32, #tpu.memory_space<vmem>>, vector<1x16xf32>,
      %get3A_370 = vector.shape_cast %get3A_369 : vector<1x16xf32> to vector<16xf32>
      %get3A_371 = arith.index_cast %sub3A_358 : i32 to index
      %get3A_372 = arith.constant 48 : index
      %get3A_373 = tpu.vector_load %arg7[%get3A_371, %get3A_372] {strides = array<i32>} : memref<16x128xf32, #tpu.memory_space<vmem>>, vector<1x16xf32>,
      %get3A_374 = vector.shape_cast %get3A_373 : vector<1x16xf32> to vector<16xf32>
      %get3A_375 = arith.index_cast %sub3A_358 : i32 to index
      %get3A_376 = arith.constant 64 : index
      %get3A_377 = tpu.vector_load %arg7[%get3A_375, %get3A_376] {strides = array<i32>} : memref<16x128xf32, #tpu.memory_space<vmem>>, vector<1x16xf32>,
      %get3A_378 = vector.shape_cast %get3A_377 : vector<1x16xf32> to vector<16xf32>
      %get3A_379 = arith.index_cast %sub3A_358 : i32 to index
      %get3A_380 = arith.constant 80 : index
      %get3A_381 = tpu.vector_load %arg7[%get3A_379, %get3A_380] {strides = array<i32>} : memref<16x128xf32, #tpu.memory_space<vmem>>, vector<1x16xf32>,
      %get3A_382 = vector.shape_cast %get3A_381 : vector<1x16xf32> to vector<16xf32>
      %get3A_383 = arith.index_cast %sub3A_358 : i32 to index
      %get3A_384 = arith.constant 96 : index
      %get3A_385 = tpu.vector_load %arg7[%get3A_383, %get3A_384] {strides = array<i32>} : memref<16x128xf32, #tpu.memory_space<vmem>>, vector<1x16xf32>,
      %get3A_386 = vector.shape_cast %get3A_385 : vector<1x16xf32> to vector<16xf32>
      %get3A_387 = arith.index_cast %sub3A_358 : i32 to index
      %get3A_388 = arith.constant 112 : index
      %get3A_389 = tpu.vector_load %arg7[%get3A_387, %get3A_388] {strides = array<i32>} : memref<16x128xf32, #tpu.memory_space<vmem>>, vector<1x16xf32>,
      %get3A_390 = vector.shape_cast %get3A_389 : vector<1x16xf32> to vector<16xf32>
      %scan3A_391 = arith.constant 0 : i32
      %scan3A_392 = arith.constant 0 : i32
      %scan3A_393 = arith.constant 128 : i32
      %scan3A_394 = arith.addi %scan3A_392, %scan3A_393 : i32
      %scan3A_395 = arith.constant 1 : i32
      scf.for %scan3A_506 = %scan3A_392 to %scan3A_394 step %scan3A_395  : i32 {
        %get3A_507 = arith.index_cast %scan3A_506 : i32 to index
        %get3A_508 = arith.constant 0 : index
        %get3A_509 = tpu.vector_load %arg9[%get3A_507, %get3A_508] {strides = array<i32>} : memref<128x128xf32, #tpu.memory_space<vmem>>, vector<1x16xf32>,
        %get3A_510 = vector.shape_cast %get3A_509 : vector<1x16xf32> to vector<16xf32>
        %mul3A_511 = arith.constant 11.3137083 : f32
        %mul3A_512 = vector.broadcast %mul3A_511 : f32 to vector<16xf32>
        %mul3A_513 = arith.mulf %get3A_510, %mul3A_512 : vector<16xf32>
        %add3A_514 = arith.addf %mul3A_513, %get3A_362 : vector<16xf32>
        %swap3A = arith.index_cast %scan3A_506 : i32 to index
        %swap3A_515 = arith.constant 0 : index
        %swap3A_516 = tpu.vector_load %arg12[%swap3A, %swap3A_515] {strides = array<i32>} : memref<128x128xf32, #tpu.memory_space<vmem>>, vector<1x16xf32>,
        %swap3A_517 = vector.shape_cast %swap3A_516 : vector<1x16xf32> to vector<16xf32>
        %swap3A_518 = vector.shape_cast %add3A_514 : vector<16xf32> to vector<1x16xf32>
        tpu.vector_store %arg12[%swap3A, %swap3A_515], %swap3A_518 {strides = array<i32>} : memref<128x128xf32, #tpu.memory_space<vmem>>, vector<1x16xf32>,
        %get3A_519 = arith.index_cast %scan3A_506 : i32 to index
        %get3A_520 = arith.constant 16 : index
        %get3A_521 = tpu.vector_load %arg9[%get3A_519, %get3A_520] {strides = array<i32>} : memref<128x128xf32, #tpu.memory_space<vmem>>, vector<1x16xf32>,
        %get3A_522 = vector.shape_cast %get3A_521 : vector<1x16xf32> to vector<16xf32>
        %mul3A_523 = arith.constant 11.3137083 : f32
        %mul3A_524 = vector.broadcast %mul3A_523 : f32 to vector<16xf32>
        %mul3A_525 = arith.mulf %get3A_522, %mul3A_524 : vector<16xf32>
        %add3A_526 = arith.addf %mul3A_525, %get3A_366 : vector<16xf32>
        %swap3A_527 = arith.index_cast %scan3A_506 : i32 to index
        %swap3A_528 = arith.constant 16 : index
        %swap3A_529 = tpu.vector_load %arg12[%swap3A_527, %swap3A_528] {strides = array<i32>} : memref<128x128xf32, #tpu.memory_space<vmem>>, vector<1x16xf32>,
        %swap3A_530 = vector.shape_cast %swap3A_529 : vector<1x16xf32> to vector<16xf32>
        %swap3A_531 = vector.shape_cast %add3A_526 : vector<16xf32> to vector<1x16xf32>
        tpu.vector_store %arg12[%swap3A_527, %swap3A_528], %swap3A_531 {strides = array<i32>} : memref<128x128xf32, #tpu.memory_space<vmem>>, vector<1x16xf32>,
        %get3A_532 = arith.index_cast %scan3A_506 : i32 to index
        %get3A_533 = arith.constant 32 : index
        %get3A_534 = tpu.vector_load %arg9[%get3A_532, %get3A_533] {strides = array<i32>} : memref<128x128xf32, #tpu.memory_space<vmem>>, vector<1x16xf32>,
        %get3A_535 = vector.shape_cast %get3A_534 : vector<1x16xf32> to vector<16xf32>
        %mul3A_536 = arith.constant 11.3137083 : f32
        %mul3A_537 = vector.broadcast %mul3A_536 : f32 to vector<16xf32>
        %mul3A_538 = arith.mulf %get3A_535, %mul3A_537 : vector<16xf32>
        %add3A_539 = arith.addf %mul3A_538, %get3A_370 : vector<16xf32>
        %swap3A_540 = arith.index_cast %scan3A_506 : i32 to index
        %swap3A_541 = arith.constant 32 : index
        %swap3A_542 = tpu.vector_load %arg12[%swap3A_540, %swap3A_541] {strides = array<i32>} : memref<128x128xf32, #tpu.memory_space<vmem>>, vector<1x16xf32>,
        %swap3A_543 = vector.shape_cast %swap3A_542 : vector<1x16xf32> to vector<16xf32>
        %swap3A_544 = vector.shape_cast %add3A_539 : vector<16xf32> to vector<1x16xf32>
        tpu.vector_store %arg12[%swap3A_540, %swap3A_541], %swap3A_544 {strides = array<i32>} : memref<128x128xf32, #tpu.memory_space<vmem>>, vector<1x16xf32>,
        %get3A_545 = arith.index_cast %scan3A_506 : i32 to index
        %get3A_546 = arith.constant 48 : index
        %get3A_547 = tpu.vector_load %arg9[%get3A_545, %get3A_546] {strides = array<i32>} : memref<128x128xf32, #tpu.memory_space<vmem>>, vector<1x16xf32>,
        %get3A_548 = vector.shape_cast %get3A_547 : vector<1x16xf32> to vector<16xf32>
        %mul3A_549 = arith.constant 11.3137083 : f32
        %mul3A_550 = vector.broadcast %mul3A_549 : f32 to vector<16xf32>
        %mul3A_551 = arith.mulf %get3A_548, %mul3A_550 : vector<16xf32>
        %add3A_552 = arith.addf %mul3A_551, %get3A_374 : vector<16xf32>
        %swap3A_553 = arith.index_cast %scan3A_506 : i32 to index
        %swap3A_554 = arith.constant 48 : index
        %swap3A_555 = tpu.vector_load %arg12[%swap3A_553, %swap3A_554] {strides = array<i32>} : memref<128x128xf32, #tpu.memory_space<vmem>>, vector<1x16xf32>,
        %swap3A_556 = vector.shape_cast %swap3A_555 : vector<1x16xf32> to vector<16xf32>
        %swap3A_557 = vector.shape_cast %add3A_552 : vector<16xf32> to vector<1x16xf32>
        tpu.vector_store %arg12[%swap3A_553, %swap3A_554], %swap3A_557 {strides = array<i32>} : memref<128x128xf32, #tpu.memory_space<vmem>>, vector<1x16xf32>,
        %get3A_558 = arith.index_cast %scan3A_506 : i32 to index
        %get3A_559 = arith.constant 64 : index
        %get3A_560 = tpu.vector_load %arg9[%get3A_558, %get3A_559] {strides = array<i32>} : memref<128x128xf32, #tpu.memory_space<vmem>>, vector<1x16xf32>,
        %get3A_561 = vector.shape_cast %get3A_560 : vector<1x16xf32> to vector<16xf32>
        %mul3A_562 = arith.constant 11.3137083 : f32
        %mul3A_563 = vector.broadcast %mul3A_562 : f32 to vector<16xf32>
        %mul3A_564 = arith.mulf %get3A_561, %mul3A_563 : vector<16xf32>
        %add3A_565 = arith.addf %mul3A_564, %get3A_378 : vector<16xf32>
        %swap3A_566 = arith.index_cast %scan3A_506 : i32 to index
        %swap3A_567 = arith.constant 64 : index
        %swap3A_568 = tpu.vector_load %arg12[%swap3A_566, %swap3A_567] {strides = array<i32>} : memref<128x128xf32, #tpu.memory_space<vmem>>, vector<1x16xf32>,
        %swap3A_569 = vector.shape_cast %swap3A_568 : vector<1x16xf32> to vector<16xf32>
        %swap3A_570 = vector.shape_cast %add3A_565 : vector<16xf32> to vector<1x16xf32>
        tpu.vector_store %arg12[%swap3A_566, %swap3A_567], %swap3A_570 {strides = array<i32>} : memref<128x128xf32, #tpu.memory_space<vmem>>, vector<1x16xf32>,
        %get3A_571 = arith.index_cast %scan3A_506 : i32 to index
        %get3A_572 = arith.constant 80 : index
        %get3A_573 = tpu.vector_load %arg9[%get3A_571, %get3A_572] {strides = array<i32>} : memref<128x128xf32, #tpu.memory_space<vmem>>, vector<1x16xf32>,
        %get3A_574 = vector.shape_cast %get3A_573 : vector<1x16xf32> to vector<16xf32>
        %mul3A_575 = arith.constant 11.3137083 : f32
        %mul3A_576 = vector.broadcast %mul3A_575 : f32 to vector<16xf32>
        %mul3A_577 = arith.mulf %get3A_574, %mul3A_576 : vector<16xf32>
        %add3A_578 = arith.addf %mul3A_577, %get3A_382 : vector<16xf32>
        %swap3A_579 = arith.index_cast %scan3A_506 : i32 to index
        %swap3A_580 = arith.constant 80 : index
        %swap3A_581 = tpu.vector_load %arg12[%swap3A_579, %swap3A_580] {strides = array<i32>} : memref<128x128xf32, #tpu.memory_space<vmem>>, vector<1x16xf32>,
        %swap3A_582 = vector.shape_cast %swap3A_581 : vector<1x16xf32> to vector<16xf32>
        %swap3A_583 = vector.shape_cast %add3A_578 : vector<16xf32> to vector<1x16xf32>
        tpu.vector_store %arg12[%swap3A_579, %swap3A_580], %swap3A_583 {strides = array<i32>} : memref<128x128xf32, #tpu.memory_space<vmem>>, vector<1x16xf32>,
        %get3A_584 = arith.index_cast %scan3A_506 : i32 to index
        %get3A_585 = arith.constant 96 : index
        %get3A_586 = tpu.vector_load %arg9[%get3A_584, %get3A_585] {strides = array<i32>} : memref<128x128xf32, #tpu.memory_space<vmem>>, vector<1x16xf32>,
        %get3A_587 = vector.shape_cast %get3A_586 : vector<1x16xf32> to vector<16xf32>
        %mul3A_588 = arith.constant 11.3137083 : f32
        %mul3A_589 = vector.broadcast %mul3A_588 : f32 to vector<16xf32>
        %mul3A_590 = arith.mulf %get3A_587, %mul3A_589 : vector<16xf32>
        %add3A_591 = arith.addf %mul3A_590, %get3A_386 : vector<16xf32>
        %swap3A_592 = arith.index_cast %scan3A_506 : i32 to index
        %swap3A_593 = arith.constant 96 : index
        %swap3A_594 = tpu.vector_load %arg12[%swap3A_592, %swap3A_593] {strides = array<i32>} : memref<128x128xf32, #tpu.memory_space<vmem>>, vector<1x16xf32>,
        %swap3A_595 = vector.shape_cast %swap3A_594 : vector<1x16xf32> to vector<16xf32>
        %swap3A_596 = vector.shape_cast %add3A_591 : vector<16xf32> to vector<1x16xf32>
        tpu.vector_store %arg12[%swap3A_592, %swap3A_593], %swap3A_596 {strides = array<i32>} : memref<128x128xf32, #tpu.memory_space<vmem>>, vector<1x16xf32>,
        %get3A_597 = arith.index_cast %scan3A_506 : i32 to index
        %get3A_598 = arith.constant 112 : index
        %get3A_599 = tpu.vector_load %arg9[%get3A_597, %get3A_598] {strides = array<i32>} : memref<128x128xf32, #tpu.memory_space<vmem>>, vector<1x16xf32>,
        %get3A_600 = vector.shape_cast %get3A_599 : vector<1x16xf32> to vector<16xf32>
        %mul3A_601 = arith.constant 11.3137083 : f32
        %mul3A_602 = vector.broadcast %mul3A_601 : f32 to vector<16xf32>
        %mul3A_603 = arith.mulf %get3A_600, %mul3A_602 : vector<16xf32>
        %add3A_604 = arith.addf %mul3A_603, %get3A_390 : vector<16xf32>
        %swap3A_605 = arith.index_cast %scan3A_506 : i32 to index
        %swap3A_606 = arith.constant 112 : index
        %swap3A_607 = tpu.vector_load %arg12[%swap3A_605, %swap3A_606] {strides = array<i32>} : memref<128x128xf32, #tpu.memory_space<vmem>>, vector<1x16xf32>,
        %swap3A_608 = vector.shape_cast %swap3A_607 : vector<1x16xf32> to vector<16xf32>
        %swap3A_609 = vector.shape_cast %add3A_604 : vector<16xf32> to vector<1x16xf32>
        tpu.vector_store %arg12[%swap3A_605, %swap3A_606], %swap3A_609 {strides = array<i32>} : memref<128x128xf32, #tpu.memory_space<vmem>>, vector<1x16xf32>,
      }
      %scan3A_396 = arith.constant 128 : i32
      %add3A_397 = arith.constant 3 : i32
      %add3A_398 = arith.addi %add3A_319, %add3A_397 : i32
      %lt3A_399 = arith.constant 50 : i32
      %lt3A_400 = arith.cmpi slt, %add3A_398, %lt3A_399 : i32
      %convert_element_type3A_401 = arith.extui %lt3A_400 : i1 to i32
      %cond3A_402 = arith.constant 0 : i32
      %cond3A_403 = arith.cmpi ne, %convert_element_type3A_401, %cond3A_402 : i32
      scf.if %cond3A_403 {
        %add3A_506 = arith.constant 3 : i32
        %add3A_507 = arith.addi %add3A_319, %add3A_506 : i32
        %mul3A_508 = arith.constant 128 : i32
        %mul3A_509 = arith.muli %add3A_507, %mul3A_508 : i32
        %dma_start3A_510 = tpu.memref_slice %arg6[%mul3A_509] : memref<6400xi32, #tpu.memory_space<vmem>> -> memref<128xi32, #tpu.memory_space<vmem>>
        %dma_start3A_511 = arith.constant 0 : i32
        %dma_start3A_512 = arith.constant 0 : i32
        %dma_start3A_513 = tpu.memref_slice %arg3[%dma_start3A_511, %dma_start3A_512] : memref<1000000x128xf32, #tpu.memory_space<hbm>> -> memref<1000000x128xf32, #tpu.memory_space<hbm>>
        tpu.enqueue_indirect_dma source(%dma_start3A_513 : memref<1000000x128xf32, #tpu.memory_space<hbm>>) target(%arg9 : memref<128x128xf32, #tpu.memory_space<vmem>>) offsets(%dma_start3A_510 : memref<128xi32, #tpu.memory_space<vmem>>) semaphore(%arg15 : memref<!tpu.dma_semaphore, #tpu.memory_space<semaphore_mem>>)
      } else {
      }
      %mul3A_404 = arith.constant 128 : i32
      %mul3A_405 = arith.muli %add3A_319, %mul3A_404 : i32
      %add3A_406 = arith.addi %mul3A_2, %mul3A_405 : i32
      %dma_start3A_407 = arith.constant 0 : i32
      %dma_start3A_408 = tpu.memref_slice %arg5[%add3A_406, %dma_start3A_407] : memref<204800x128xf32, #tpu.memory_space<hbm>> -> memref<128x128xf32, #tpu.memory_space<hbm>>
      %dma_start3A_409 = arith.constant 0 : i32
      %dma_start3A_410 = tpu.memref_slice %arg5[%add3A_406, %dma_start3A_409] : memref<204800x128xf32, #tpu.memory_space<hbm>> -> memref<128x128xf32, #tpu.memory_space<hbm>>
      tpu.enqueue_dma source(%arg12 : memref<128x128xf32, #tpu.memory_space<vmem>>) target(%dma_start3A_410 : memref<128x128xf32, #tpu.memory_space<hbm>>) target_semaphore(%arg18 : memref<!tpu.dma_semaphore, #tpu.memory_space<semaphore_mem>>)
      %mul3A_411 = arith.constant 3 : i32
      %mul3A_412 = arith.muli %mul3A_411, %scan3A_224 : i32
      %add3A_413 = arith.constant 2 : i32
      %add3A_414 = arith.addi %mul3A_412, %add3A_413 : i32
      %dma_wait3A_415 = arith.constant 0 : i32
      %dma_wait3A_416 = arith.constant 0 : i32
      %dma_wait3A_417 = tpu.memref_slice %arg3[%dma_wait3A_415, %dma_wait3A_416] : memref<1000000x128xf32, #tpu.memory_space<hbm>> -> memref<128x128xf32, #tpu.memory_space<hbm>>
      %dma_wait3A_418 = arith.constant 0 : i32
      %dma_wait3A_419 = arith.constant 0 : i32
      %dma_wait3A_420 = tpu.memref_slice %arg3[%dma_wait3A_418, %dma_wait3A_419] : memref<1000000x128xf32, #tpu.memory_space<hbm>> -> memref<128x128xf32, #tpu.memory_space<hbm>>
      tpu.wait_dma2 semaphore(%arg16 : memref<!tpu.dma_semaphore, #tpu.memory_space<semaphore_mem>>) src(%dma_wait3A_420 : memref<128x128xf32, #tpu.memory_space<hbm>>) dst(%arg10 : memref<128x128xf32, #tpu.memory_space<vmem>>)
      %gt3A_421 = arith.constant 0 : i32
      %gt3A_422 = arith.cmpi sgt, %scan3A_224, %gt3A_421 : i32
      %convert_element_type3A_423 = arith.extui %gt3A_422 : i1 to i32
      %cond3A_424 = arith.constant 0 : i32
      %cond3A_425 = arith.cmpi ne, %convert_element_type3A_423, %cond3A_424 : i32
      scf.if %cond3A_425 {
        %dma_wait3A_506 = arith.constant 0 : i32
        %dma_wait3A_507 = arith.constant 0 : i32
        %dma_wait3A_508 = tpu.memref_slice %arg5[%dma_wait3A_506, %dma_wait3A_507] : memref<204800x128xf32, #tpu.memory_space<hbm>> -> memref<128x128xf32, #tpu.memory_space<hbm>>
        %dma_wait3A_509 = arith.constant 0 : i32
        %dma_wait3A_510 = arith.constant 0 : i32
        %dma_wait3A_511 = tpu.memref_slice %arg5[%dma_wait3A_509, %dma_wait3A_510] : memref<204800x128xf32, #tpu.memory_space<hbm>> -> memref<128x128xf32, #tpu.memory_space<hbm>>
        tpu.wait_dma2 semaphore(%arg19 : memref<!tpu.dma_semaphore, #tpu.memory_space<semaphore_mem>>) src(%arg13 : memref<128x128xf32, #tpu.memory_space<vmem>>) dst(%dma_wait3A_511 : memref<128x128xf32, #tpu.memory_space<hbm>>)
      } else {
      }
      %mul3A_426 = arith.constant 128 : i32
      %mul3A_427 = arith.muli %add3A_414, %mul3A_426 : i32
      %add3A_428 = arith.addi %mul3A_2, %mul3A_427 : i32
      %jit3A_429 = arith.constant 1024 : i32
      %div3A_430 = arith.divsi %add3A_428, %jit3A_429 : i32
      %sign3A_431 = arith.constant 0 : i32
      %sign3A_432 = arith.cmpi sgt, %add3A_428, %sign3A_431 : i32
      %sign3A_433 = arith.extui %sign3A_432 : i1 to i32
      %sign3A_434 = arith.constant 0 : i32
      %sign3A_435 = arith.cmpi slt, %add3A_428, %sign3A_434 : i32
      %sign3A_436 = arith.extui %sign3A_435 : i1 to i32
      %sign3A_437 = arith.subi %sign3A_433, %sign3A_436 : i32
      %sign3A_438 = arith.constant 0 : i32
      %sign3A_439 = arith.cmpi sgt, %jit3A_429, %sign3A_438 : i32
      %sign3A_440 = arith.extui %sign3A_439 : i1 to i32
      %sign3A_441 = arith.constant 0 : i32
      %sign3A_442 = arith.cmpi slt, %jit3A_429, %sign3A_441 : i32
      %sign3A_443 = arith.extui %sign3A_442 : i1 to i32
      %sign3A_444 = arith.subi %sign3A_440, %sign3A_443 : i32
      %ne3A_445 = arith.cmpi ne, %sign3A_437, %sign3A_444 : i32
      %rem3A_446 = arith.remsi %add3A_428, %jit3A_429 : i32
      %ne3A_447 = arith.constant 0 : i32
      %ne3A_448 = arith.cmpi ne, %rem3A_446, %ne3A_447 : i32
      %and3A_449 = arith.andi %ne3A_445, %ne3A_448 : i1
      %sub3A_450 = arith.constant 1 : i32
      %sub3A_451 = arith.subi %div3A_430, %sub3A_450 : i32
      %select_n3A_452 = arith.select %and3A_449, %sub3A_451, %div3A_430 : i32
      %sub3A_453 = arith.subi %select_n3A_452, %multiple_of3A : i32
      %get3A_454 = arith.index_cast %sub3A_453 : i32 to index
      %get3A_455 = arith.constant 0 : index
      %get3A_456 = tpu.vector_load %arg7[%get3A_454, %get3A_455] {strides = array<i32>} : memref<16x128xf32, #tpu.memory_space<vmem>>, vector<1x16xf32>,
      %get3A_457 = vector.shape_cast %get3A_456 : vector<1x16xf32> to vector<16xf32>
      %get3A_458 = arith.index_cast %sub3A_453 : i32 to index
      %get3A_459 = arith.constant 16 : index
      %get3A_460 = tpu.vector_load %arg7[%get3A_458, %get3A_459] {strides = array<i32>} : memref<16x128xf32, #tpu.memory_space<vmem>>, vector<1x16xf32>,
      %get3A_461 = vector.shape_cast %get3A_460 : vector<1x16xf32> to vector<16xf32>
      %get3A_462 = arith.index_cast %sub3A_453 : i32 to index
      %get3A_463 = arith.constant 32 : index
      %get3A_464 = tpu.vector_load %arg7[%get3A_462, %get3A_463] {strides = array<i32>} : memref<16x128xf32, #tpu.memory_space<vmem>>, vector<1x16xf32>,
      %get3A_465 = vector.shape_cast %get3A_464 : vector<1x16xf32> to vector<16xf32>
      %get3A_466 = arith.index_cast %sub3A_453 : i32 to index
      %get3A_467 = arith.constant 48 : index
      %get3A_468 = tpu.vector_load %arg7[%get3A_466, %get3A_467] {strides = array<i32>} : memref<16x128xf32, #tpu.memory_space<vmem>>, vector<1x16xf32>,
      %get3A_469 = vector.shape_cast %get3A_468 : vector<1x16xf32> to vector<16xf32>
      %get3A_470 = arith.index_cast %sub3A_453 : i32 to index
      %get3A_471 = arith.constant 64 : index
      %get3A_472 = tpu.vector_load %arg7[%get3A_470, %get3A_471] {strides = array<i32>} : memref<16x128xf32, #tpu.memory_space<vmem>>, vector<1x16xf32>,
      %get3A_473 = vector.shape_cast %get3A_472 : vector<1x16xf32> to vector<16xf32>
      %get3A_474 = arith.index_cast %sub3A_453 : i32 to index
      %get3A_475 = arith.constant 80 : index
      %get3A_476 = tpu.vector_load %arg7[%get3A_474, %get3A_475] {strides = array<i32>} : memref<16x128xf32, #tpu.memory_space<vmem>>, vector<1x16xf32>,
      %get3A_477 = vector.shape_cast %get3A_476 : vector<1x16xf32> to vector<16xf32>
      %get3A_478 = arith.index_cast %sub3A_453 : i32 to index
      %get3A_479 = arith.constant 96 : index
      %get3A_480 = tpu.vector_load %arg7[%get3A_478, %get3A_479] {strides = array<i32>} : memref<16x128xf32, #tpu.memory_space<vmem>>, vector<1x16xf32>,
      %get3A_481 = vector.shape_cast %get3A_480 : vector<1x16xf32> to vector<16xf32>
      %get3A_482 = arith.index_cast %sub3A_453 : i32 to index
      %get3A_483 = arith.constant 112 : index
      %get3A_484 = tpu.vector_load %arg7[%get3A_482, %get3A_483] {strides = array<i32>} : memref<16x128xf32, #tpu.memory_space<vmem>>, vector<1x16xf32>,
      %get3A_485 = vector.shape_cast %get3A_484 : vector<1x16xf32> to vector<16xf32>
      %scan3A_486 = arith.constant 0 : i32
      %scan3A_487 = arith.constant 0 : i32
      %scan3A_488 = arith.constant 128 : i32
      %scan3A_489 = arith.addi %scan3A_487, %scan3A_488 : i32
      %scan3A_490 = arith.constant 1 : i32
      scf.for %scan3A_506 = %scan3A_487 to %scan3A_489 step %scan3A_490  : i32 {
        %get3A_507 = arith.index_cast %scan3A_506 : i32 to index
        %get3A_508 = arith.constant 0 : index
        %get3A_509 = tpu.vector_load %arg10[%get3A_507, %get3A_508] {strides = array<i32>} : memref<128x128xf32, #tpu.memory_space<vmem>>, vector<1x16xf32>,
        %get3A_510 = vector.shape_cast %get3A_509 : vector<1x16xf32> to vector<16xf32>
        %mul3A_511 = arith.constant 11.3137083 : f32
        %mul3A_512 = vector.broadcast %mul3A_511 : f32 to vector<16xf32>
        %mul3A_513 = arith.mulf %get3A_510, %mul3A_512 : vector<16xf32>
        %add3A_514 = arith.addf %mul3A_513, %get3A_457 : vector<16xf32>
        %swap3A = arith.index_cast %scan3A_506 : i32 to index
        %swap3A_515 = arith.constant 0 : index
        %swap3A_516 = tpu.vector_load %arg13[%swap3A, %swap3A_515] {strides = array<i32>} : memref<128x128xf32, #tpu.memory_space<vmem>>, vector<1x16xf32>,
        %swap3A_517 = vector.shape_cast %swap3A_516 : vector<1x16xf32> to vector<16xf32>
        %swap3A_518 = vector.shape_cast %add3A_514 : vector<16xf32> to vector<1x16xf32>
        tpu.vector_store %arg13[%swap3A, %swap3A_515], %swap3A_518 {strides = array<i32>} : memref<128x128xf32, #tpu.memory_space<vmem>>, vector<1x16xf32>,
        %get3A_519 = arith.index_cast %scan3A_506 : i32 to index
        %get3A_520 = arith.constant 16 : index
        %get3A_521 = tpu.vector_load %arg10[%get3A_519, %get3A_520] {strides = array<i32>} : memref<128x128xf32, #tpu.memory_space<vmem>>, vector<1x16xf32>,
        %get3A_522 = vector.shape_cast %get3A_521 : vector<1x16xf32> to vector<16xf32>
        %mul3A_523 = arith.constant 11.3137083 : f32
        %mul3A_524 = vector.broadcast %mul3A_523 : f32 to vector<16xf32>
        %mul3A_525 = arith.mulf %get3A_522, %mul3A_524 : vector<16xf32>
        %add3A_526 = arith.addf %mul3A_525, %get3A_461 : vector<16xf32>
        %swap3A_527 = arith.index_cast %scan3A_506 : i32 to index
        %swap3A_528 = arith.constant 16 : index
        %swap3A_529 = tpu.vector_load %arg13[%swap3A_527, %swap3A_528] {strides = array<i32>} : memref<128x128xf32, #tpu.memory_space<vmem>>, vector<1x16xf32>,
        %swap3A_530 = vector.shape_cast %swap3A_529 : vector<1x16xf32> to vector<16xf32>
        %swap3A_531 = vector.shape_cast %add3A_526 : vector<16xf32> to vector<1x16xf32>
        tpu.vector_store %arg13[%swap3A_527, %swap3A_528], %swap3A_531 {strides = array<i32>} : memref<128x128xf32, #tpu.memory_space<vmem>>, vector<1x16xf32>,
        %get3A_532 = arith.index_cast %scan3A_506 : i32 to index
        %get3A_533 = arith.constant 32 : index
        %get3A_534 = tpu.vector_load %arg10[%get3A_532, %get3A_533] {strides = array<i32>} : memref<128x128xf32, #tpu.memory_space<vmem>>, vector<1x16xf32>,
        %get3A_535 = vector.shape_cast %get3A_534 : vector<1x16xf32> to vector<16xf32>
        %mul3A_536 = arith.constant 11.3137083 : f32
        %mul3A_537 = vector.broadcast %mul3A_536 : f32 to vector<16xf32>
        %mul3A_538 = arith.mulf %get3A_535, %mul3A_537 : vector<16xf32>
        %add3A_539 = arith.addf %mul3A_538, %get3A_465 : vector<16xf32>
        %swap3A_540 = arith.index_cast %scan3A_506 : i32 to index
        %swap3A_541 = arith.constant 32 : index
        %swap3A_542 = tpu.vector_load %arg13[%swap3A_540, %swap3A_541] {strides = array<i32>} : memref<128x128xf32, #tpu.memory_space<vmem>>, vector<1x16xf32>,
        %swap3A_543 = vector.shape_cast %swap3A_542 : vector<1x16xf32> to vector<16xf32>
        %swap3A_544 = vector.shape_cast %add3A_539 : vector<16xf32> to vector<1x16xf32>
        tpu.vector_store %arg13[%swap3A_540, %swap3A_541], %swap3A_544 {strides = array<i32>} : memref<128x128xf32, #tpu.memory_space<vmem>>, vector<1x16xf32>,
        %get3A_545 = arith.index_cast %scan3A_506 : i32 to index
        %get3A_546 = arith.constant 48 : index
        %get3A_547 = tpu.vector_load %arg10[%get3A_545, %get3A_546] {strides = array<i32>} : memref<128x128xf32, #tpu.memory_space<vmem>>, vector<1x16xf32>,
        %get3A_548 = vector.shape_cast %get3A_547 : vector<1x16xf32> to vector<16xf32>
        %mul3A_549 = arith.constant 11.3137083 : f32
        %mul3A_550 = vector.broadcast %mul3A_549 : f32 to vector<16xf32>
        %mul3A_551 = arith.mulf %get3A_548, %mul3A_550 : vector<16xf32>
        %add3A_552 = arith.addf %mul3A_551, %get3A_469 : vector<16xf32>
        %swap3A_553 = arith.index_cast %scan3A_506 : i32 to index
        %swap3A_554 = arith.constant 48 : index
        %swap3A_555 = tpu.vector_load %arg13[%swap3A_553, %swap3A_554] {strides = array<i32>} : memref<128x128xf32, #tpu.memory_space<vmem>>, vector<1x16xf32>,
        %swap3A_556 = vector.shape_cast %swap3A_555 : vector<1x16xf32> to vector<16xf32>
        %swap3A_557 = vector.shape_cast %add3A_552 : vector<16xf32> to vector<1x16xf32>
        tpu.vector_store %arg13[%swap3A_553, %swap3A_554], %swap3A_557 {strides = array<i32>} : memref<128x128xf32, #tpu.memory_space<vmem>>, vector<1x16xf32>,
        %get3A_558 = arith.index_cast %scan3A_506 : i32 to index
        %get3A_559 = arith.constant 64 : index
        %get3A_560 = tpu.vector_load %arg10[%get3A_558, %get3A_559] {strides = array<i32>} : memref<128x128xf32, #tpu.memory_space<vmem>>, vector<1x16xf32>,
        %get3A_561 = vector.shape_cast %get3A_560 : vector<1x16xf32> to vector<16xf32>
        %mul3A_562 = arith.constant 11.3137083 : f32
        %mul3A_563 = vector.broadcast %mul3A_562 : f32 to vector<16xf32>
        %mul3A_564 = arith.mulf %get3A_561, %mul3A_563 : vector<16xf32>
        %add3A_565 = arith.addf %mul3A_564, %get3A_473 : vector<16xf32>
        %swap3A_566 = arith.index_cast %scan3A_506 : i32 to index
        %swap3A_567 = arith.constant 64 : index
        %swap3A_568 = tpu.vector_load %arg13[%swap3A_566, %swap3A_567] {strides = array<i32>} : memref<128x128xf32, #tpu.memory_space<vmem>>, vector<1x16xf32>,
        %swap3A_569 = vector.shape_cast %swap3A_568 : vector<1x16xf32> to vector<16xf32>
        %swap3A_570 = vector.shape_cast %add3A_565 : vector<16xf32> to vector<1x16xf32>
        tpu.vector_store %arg13[%swap3A_566, %swap3A_567], %swap3A_570 {strides = array<i32>} : memref<128x128xf32, #tpu.memory_space<vmem>>, vector<1x16xf32>,
        %get3A_571 = arith.index_cast %scan3A_506 : i32 to index
        %get3A_572 = arith.constant 80 : index
        %get3A_573 = tpu.vector_load %arg10[%get3A_571, %get3A_572] {strides = array<i32>} : memref<128x128xf32, #tpu.memory_space<vmem>>, vector<1x16xf32>,
        %get3A_574 = vector.shape_cast %get3A_573 : vector<1x16xf32> to vector<16xf32>
        %mul3A_575 = arith.constant 11.3137083 : f32
        %mul3A_576 = vector.broadcast %mul3A_575 : f32 to vector<16xf32>
        %mul3A_577 = arith.mulf %get3A_574, %mul3A_576 : vector<16xf32>
        %add3A_578 = arith.addf %mul3A_577, %get3A_477 : vector<16xf32>
        %swap3A_579 = arith.index_cast %scan3A_506 : i32 to index
        %swap3A_580 = arith.constant 80 : index
        %swap3A_581 = tpu.vector_load %arg13[%swap3A_579, %swap3A_580] {strides = array<i32>} : memref<128x128xf32, #tpu.memory_space<vmem>>, vector<1x16xf32>,
        %swap3A_582 = vector.shape_cast %swap3A_581 : vector<1x16xf32> to vector<16xf32>
        %swap3A_583 = vector.shape_cast %add3A_578 : vector<16xf32> to vector<1x16xf32>
        tpu.vector_store %arg13[%swap3A_579, %swap3A_580], %swap3A_583 {strides = array<i32>} : memref<128x128xf32, #tpu.memory_space<vmem>>, vector<1x16xf32>,
        %get3A_584 = arith.index_cast %scan3A_506 : i32 to index
        %get3A_585 = arith.constant 96 : index
        %get3A_586 = tpu.vector_load %arg10[%get3A_584, %get3A_585] {strides = array<i32>} : memref<128x128xf32, #tpu.memory_space<vmem>>, vector<1x16xf32>,
        %get3A_587 = vector.shape_cast %get3A_586 : vector<1x16xf32> to vector<16xf32>
        %mul3A_588 = arith.constant 11.3137083 : f32
        %mul3A_589 = vector.broadcast %mul3A_588 : f32 to vector<16xf32>
        %mul3A_590 = arith.mulf %get3A_587, %mul3A_589 : vector<16xf32>
        %add3A_591 = arith.addf %mul3A_590, %get3A_481 : vector<16xf32>
        %swap3A_592 = arith.index_cast %scan3A_506 : i32 to index
        %swap3A_593 = arith.constant 96 : index
        %swap3A_594 = tpu.vector_load %arg13[%swap3A_592, %swap3A_593] {strides = array<i32>} : memref<128x128xf32, #tpu.memory_space<vmem>>, vector<1x16xf32>,
        %swap3A_595 = vector.shape_cast %swap3A_594 : vector<1x16xf32> to vector<16xf32>
        %swap3A_596 = vector.shape_cast %add3A_591 : vector<16xf32> to vector<1x16xf32>
        tpu.vector_store %arg13[%swap3A_592, %swap3A_593], %swap3A_596 {strides = array<i32>} : memref<128x128xf32, #tpu.memory_space<vmem>>, vector<1x16xf32>,
        %get3A_597 = arith.index_cast %scan3A_506 : i32 to index
        %get3A_598 = arith.constant 112 : index
        %get3A_599 = tpu.vector_load %arg10[%get3A_597, %get3A_598] {strides = array<i32>} : memref<128x128xf32, #tpu.memory_space<vmem>>, vector<1x16xf32>,
        %get3A_600 = vector.shape_cast %get3A_599 : vector<1x16xf32> to vector<16xf32>
        %mul3A_601 = arith.constant 11.3137083 : f32
        %mul3A_602 = vector.broadcast %mul3A_601 : f32 to vector<16xf32>
        %mul3A_603 = arith.mulf %get3A_600, %mul3A_602 : vector<16xf32>
        %add3A_604 = arith.addf %mul3A_603, %get3A_485 : vector<16xf32>
        %swap3A_605 = arith.index_cast %scan3A_506 : i32 to index
        %swap3A_606 = arith.constant 112 : index
        %swap3A_607 = tpu.vector_load %arg13[%swap3A_605, %swap3A_606] {strides = array<i32>} : memref<128x128xf32, #tpu.memory_space<vmem>>, vector<1x16xf32>,
        %swap3A_608 = vector.shape_cast %swap3A_607 : vector<1x16xf32> to vector<16xf32>
        %swap3A_609 = vector.shape_cast %add3A_604 : vector<16xf32> to vector<1x16xf32>
        tpu.vector_store %arg13[%swap3A_605, %swap3A_606], %swap3A_609 {strides = array<i32>} : memref<128x128xf32, #tpu.memory_space<vmem>>, vector<1x16xf32>,
      }
      %scan3A_491 = arith.constant 128 : i32
      %add3A_492 = arith.constant 3 : i32
      %add3A_493 = arith.addi %add3A_414, %add3A_492 : i32
      %lt3A_494 = arith.constant 50 : i32
      %lt3A_495 = arith.cmpi slt, %add3A_493, %lt3A_494 : i32
      %convert_element_type3A_496 = arith.extui %lt3A_495 : i1 to i32
      %cond3A_497 = arith.constant 0 : i32
      %cond3A_498 = arith.cmpi ne, %convert_element_type3A_496, %cond3A_497 : i32
      scf.if %cond3A_498 {
        %add3A_506 = arith.constant 3 : i32
        %add3A_507 = arith.addi %add3A_414, %add3A_506 : i32
        %mul3A_508 = arith.constant 128 : i32
        %mul3A_509 = arith.muli %add3A_507, %mul3A_508 : i32
        %dma_start3A_510 = tpu.memref_slice %arg6[%mul3A_509] : memref<6400xi32, #tpu.memory_space<vmem>> -> memref<128xi32, #tpu.memory_space<vmem>>
        %dma_start3A_511 = arith.constant 0 : i32
        %dma_start3A_512 = arith.constant 0 : i32
        %dma_start3A_513 = tpu.memref_slice %arg3[%dma_start3A_511, %dma_start3A_512] : memref<1000000x128xf32, #tpu.memory_space<hbm>> -> memref<1000000x128xf32, #tpu.memory_space<hbm>>
        tpu.enqueue_indirect_dma source(%dma_start3A_513 : memref<1000000x128xf32, #tpu.memory_space<hbm>>) target(%arg10 : memref<128x128xf32, #tpu.memory_space<vmem>>) offsets(%dma_start3A_510 : memref<128xi32, #tpu.memory_space<vmem>>) semaphore(%arg16 : memref<!tpu.dma_semaphore, #tpu.memory_space<semaphore_mem>>)
      } else {
      }
      %mul3A_499 = arith.constant 128 : i32
      %mul3A_500 = arith.muli %add3A_414, %mul3A_499 : i32
      %add3A_501 = arith.addi %mul3A_2, %mul3A_500 : i32
      %dma_start3A_502 = arith.constant 0 : i32
      %dma_start3A_503 = tpu.memref_slice %arg5[%add3A_501, %dma_start3A_502] : memref<204800x128xf32, #tpu.memory_space<hbm>> -> memref<128x128xf32, #tpu.memory_space<hbm>>
      %dma_start3A_504 = arith.constant 0 : i32
      %dma_start3A_505 = tpu.memref_slice %arg5[%add3A_501, %dma_start3A_504] : memref<204800x128xf32, #tpu.memory_space<hbm>> -> memref<128x128xf32, #tpu.memory_space<hbm>>
      tpu.enqueue_dma source(%arg13 : memref<128x128xf32, #tpu.memory_space<vmem>>) target(%dma_start3A_505 : memref<128x128xf32, #tpu.memory_space<hbm>>) target_semaphore(%arg19 : memref<!tpu.dma_semaphore, #tpu.memory_space<semaphore_mem>>)
    }
    %scan3A_41 = arith.constant 16 : i32
    %dma_wait3A = arith.constant 0 : i32
    %dma_wait3A_42 = arith.constant 0 : i32
    %dma_wait3A_43 = tpu.memref_slice %arg3[%dma_wait3A, %dma_wait3A_42] : memref<1000000x128xf32, #tpu.memory_space<hbm>> -> memref<128x128xf32, #tpu.memory_space<hbm>>
    %dma_wait3A_44 = arith.constant 0 : i32
    %dma_wait3A_45 = arith.constant 0 : i32
    %dma_wait3A_46 = tpu.memref_slice %arg3[%dma_wait3A_44, %dma_wait3A_45] : memref<1000000x128xf32, #tpu.memory_space<hbm>> -> memref<128x128xf32, #tpu.memory_space<hbm>>
    tpu.wait_dma2 semaphore(%arg14 : memref<!tpu.dma_semaphore, #tpu.memory_space<semaphore_mem>>) src(%dma_wait3A_46 : memref<128x128xf32, #tpu.memory_space<hbm>>) dst(%arg8 : memref<128x128xf32, #tpu.memory_space<vmem>>)
    %dma_wait3A_47 = arith.constant 0 : i32
    %dma_wait3A_48 = arith.constant 0 : i32
    %dma_wait3A_49 = tpu.memref_slice %arg5[%dma_wait3A_47, %dma_wait3A_48] : memref<204800x128xf32, #tpu.memory_space<hbm>> -> memref<128x128xf32, #tpu.memory_space<hbm>>
    %dma_wait3A_50 = arith.constant 0 : i32
    %dma_wait3A_51 = arith.constant 0 : i32
    %dma_wait3A_52 = tpu.memref_slice %arg5[%dma_wait3A_50, %dma_wait3A_51] : memref<204800x128xf32, #tpu.memory_space<hbm>> -> memref<128x128xf32, #tpu.memory_space<hbm>>
    tpu.wait_dma2 semaphore(%arg17 : memref<!tpu.dma_semaphore, #tpu.memory_space<semaphore_mem>>) src(%arg11 : memref<128x128xf32, #tpu.memory_space<vmem>>) dst(%dma_wait3A_52 : memref<128x128xf32, #tpu.memory_space<hbm>>)
    %add3A_53 = arith.constant 6144 : i32
    %add3A_54 = arith.addi %mul3A_2, %add3A_53 : i32
    %jit3A_55 = arith.constant 1024 : i32
    %div3A_56 = arith.divsi %add3A_54, %jit3A_55 : i32
    %sign3A_57 = arith.constant 0 : i32
    %sign3A_58 = arith.cmpi sgt, %add3A_54, %sign3A_57 : i32
    %sign3A_59 = arith.extui %sign3A_58 : i1 to i32
    %sign3A_60 = arith.constant 0 : i32
    %sign3A_61 = arith.cmpi slt, %add3A_54, %sign3A_60 : i32
    %sign3A_62 = arith.extui %sign3A_61 : i1 to i32
    %sign3A_63 = arith.subi %sign3A_59, %sign3A_62 : i32
    %sign3A_64 = arith.constant 0 : i32
    %sign3A_65 = arith.cmpi sgt, %jit3A_55, %sign3A_64 : i32
    %sign3A_66 = arith.extui %sign3A_65 : i1 to i32
    %sign3A_67 = arith.constant 0 : i32
    %sign3A_68 = arith.cmpi slt, %jit3A_55, %sign3A_67 : i32
    %sign3A_69 = arith.extui %sign3A_68 : i1 to i32
    %sign3A_70 = arith.subi %sign3A_66, %sign3A_69 : i32
    %ne3A_71 = arith.cmpi ne, %sign3A_63, %sign3A_70 : i32
    %rem3A_72 = arith.remsi %add3A_54, %jit3A_55 : i32
    %ne3A_73 = arith.constant 0 : i32
    %ne3A_74 = arith.cmpi ne, %rem3A_72, %ne3A_73 : i32
    %and3A_75 = arith.andi %ne3A_71, %ne3A_74 : i1
    %sub3A_76 = arith.constant 1 : i32
    %sub3A_77 = arith.subi %div3A_56, %sub3A_76 : i32
    %select_n3A_78 = arith.select %and3A_75, %sub3A_77, %div3A_56 : i32
    %sub3A_79 = arith.subi %select_n3A_78, %multiple_of3A : i32
    %get3A = arith.index_cast %sub3A_79 : i32 to index
    %get3A_80 = arith.constant 0 : index
    %get3A_81 = tpu.vector_load %arg7[%get3A, %get3A_80] {strides = array<i32>} : memref<16x128xf32, #tpu.memory_space<vmem>>, vector<1x16xf32>,
    %get3A_82 = vector.shape_cast %get3A_81 : vector<1x16xf32> to vector<16xf32>
    %get3A_83 = arith.index_cast %sub3A_79 : i32 to index
    %get3A_84 = arith.constant 16 : index
    %get3A_85 = tpu.vector_load %arg7[%get3A_83, %get3A_84] {strides = array<i32>} : memref<16x128xf32, #tpu.memory_space<vmem>>, vector<1x16xf32>,
    %get3A_86 = vector.shape_cast %get3A_85 : vector<1x16xf32> to vector<16xf32>
    %get3A_87 = arith.index_cast %sub3A_79 : i32 to index
    %get3A_88 = arith.constant 32 : index
    %get3A_89 = tpu.vector_load %arg7[%get3A_87, %get3A_88] {strides = array<i32>} : memref<16x128xf32, #tpu.memory_space<vmem>>, vector<1x16xf32>,
    %get3A_90 = vector.shape_cast %get3A_89 : vector<1x16xf32> to vector<16xf32>
    %get3A_91 = arith.index_cast %sub3A_79 : i32 to index
    %get3A_92 = arith.constant 48 : index
    %get3A_93 = tpu.vector_load %arg7[%get3A_91, %get3A_92] {strides = array<i32>} : memref<16x128xf32, #tpu.memory_space<vmem>>, vector<1x16xf32>,
    %get3A_94 = vector.shape_cast %get3A_93 : vector<1x16xf32> to vector<16xf32>
    %get3A_95 = arith.index_cast %sub3A_79 : i32 to index
    %get3A_96 = arith.constant 64 : index
    %get3A_97 = tpu.vector_load %arg7[%get3A_95, %get3A_96] {strides = array<i32>} : memref<16x128xf32, #tpu.memory_space<vmem>>, vector<1x16xf32>,
    %get3A_98 = vector.shape_cast %get3A_97 : vector<1x16xf32> to vector<16xf32>
    %get3A_99 = arith.index_cast %sub3A_79 : i32 to index
    %get3A_100 = arith.constant 80 : index
    %get3A_101 = tpu.vector_load %arg7[%get3A_99, %get3A_100] {strides = array<i32>} : memref<16x128xf32, #tpu.memory_space<vmem>>, vector<1x16xf32>,
    %get3A_102 = vector.shape_cast %get3A_101 : vector<1x16xf32> to vector<16xf32>
    %get3A_103 = arith.index_cast %sub3A_79 : i32 to index
    %get3A_104 = arith.constant 96 : index
    %get3A_105 = tpu.vector_load %arg7[%get3A_103, %get3A_104] {strides = array<i32>} : memref<16x128xf32, #tpu.memory_space<vmem>>, vector<1x16xf32>,
    %get3A_106 = vector.shape_cast %get3A_105 : vector<1x16xf32> to vector<16xf32>
    %get3A_107 = arith.index_cast %sub3A_79 : i32 to index
    %get3A_108 = arith.constant 112 : index
    %get3A_109 = tpu.vector_load %arg7[%get3A_107, %get3A_108] {strides = array<i32>} : memref<16x128xf32, #tpu.memory_space<vmem>>, vector<1x16xf32>,
    %get3A_110 = vector.shape_cast %get3A_109 : vector<1x16xf32> to vector<16xf32>
    %scan3A_111 = arith.constant 0 : i32
    %scan3A_112 = arith.constant 0 : i32
    %scan3A_113 = arith.constant 128 : i32
    %scan3A_114 = arith.addi %scan3A_112, %scan3A_113 : i32
    %scan3A_115 = arith.constant 1 : i32
    scf.for %scan3A_224 = %scan3A_112 to %scan3A_114 step %scan3A_115  : i32 {
      %get3A_225 = arith.index_cast %scan3A_224 : i32 to index
      %get3A_226 = arith.constant 0 : index
      %get3A_227 = tpu.vector_load %arg8[%get3A_225, %get3A_226] {strides = array<i32>} : memref<128x128xf32, #tpu.memory_space<vmem>>, vector<1x16xf32>,
      %get3A_228 = vector.shape_cast %get3A_227 : vector<1x16xf32> to vector<16xf32>
      %mul3A_229 = arith.constant 11.3137083 : f32
      %mul3A_230 = vector.broadcast %mul3A_229 : f32 to vector<16xf32>
      %mul3A_231 = arith.mulf %get3A_228, %mul3A_230 : vector<16xf32>
      %add3A_232 = arith.addf %mul3A_231, %get3A_82 : vector<16xf32>
      %swap3A = arith.index_cast %scan3A_224 : i32 to index
      %swap3A_233 = arith.constant 0 : index
      %swap3A_234 = tpu.vector_load %arg11[%swap3A, %swap3A_233] {strides = array<i32>} : memref<128x128xf32, #tpu.memory_space<vmem>>, vector<1x16xf32>,
      %swap3A_235 = vector.shape_cast %swap3A_234 : vector<1x16xf32> to vector<16xf32>
      %swap3A_236 = vector.shape_cast %add3A_232 : vector<16xf32> to vector<1x16xf32>
      tpu.vector_store %arg11[%swap3A, %swap3A_233], %swap3A_236 {strides = array<i32>} : memref<128x128xf32, #tpu.memory_space<vmem>>, vector<1x16xf32>,
      %get3A_237 = arith.index_cast %scan3A_224 : i32 to index
      %get3A_238 = arith.constant 16 : index
      %get3A_239 = tpu.vector_load %arg8[%get3A_237, %get3A_238] {strides = array<i32>} : memref<128x128xf32, #tpu.memory_space<vmem>>, vector<1x16xf32>,
      %get3A_240 = vector.shape_cast %get3A_239 : vector<1x16xf32> to vector<16xf32>
      %mul3A_241 = arith.constant 11.3137083 : f32
      %mul3A_242 = vector.broadcast %mul3A_241 : f32 to vector<16xf32>
      %mul3A_243 = arith.mulf %get3A_240, %mul3A_242 : vector<16xf32>
      %add3A_244 = arith.addf %mul3A_243, %get3A_86 : vector<16xf32>
      %swap3A_245 = arith.index_cast %scan3A_224 : i32 to index
      %swap3A_246 = arith.constant 16 : index
      %swap3A_247 = tpu.vector_load %arg11[%swap3A_245, %swap3A_246] {strides = array<i32>} : memref<128x128xf32, #tpu.memory_space<vmem>>, vector<1x16xf32>,
      %swap3A_248 = vector.shape_cast %swap3A_247 : vector<1x16xf32> to vector<16xf32>
      %swap3A_249 = vector.shape_cast %add3A_244 : vector<16xf32> to vector<1x16xf32>
      tpu.vector_store %arg11[%swap3A_245, %swap3A_246], %swap3A_249 {strides = array<i32>} : memref<128x128xf32, #tpu.memory_space<vmem>>, vector<1x16xf32>,
      %get3A_250 = arith.index_cast %scan3A_224 : i32 to index
      %get3A_251 = arith.constant 32 : index
      %get3A_252 = tpu.vector_load %arg8[%get3A_250, %get3A_251] {strides = array<i32>} : memref<128x128xf32, #tpu.memory_space<vmem>>, vector<1x16xf32>,
      %get3A_253 = vector.shape_cast %get3A_252 : vector<1x16xf32> to vector<16xf32>
      %mul3A_254 = arith.constant 11.3137083 : f32
      %mul3A_255 = vector.broadcast %mul3A_254 : f32 to vector<16xf32>
      %mul3A_256 = arith.mulf %get3A_253, %mul3A_255 : vector<16xf32>
      %add3A_257 = arith.addf %mul3A_256, %get3A_90 : vector<16xf32>
      %swap3A_258 = arith.index_cast %scan3A_224 : i32 to index
      %swap3A_259 = arith.constant 32 : index
      %swap3A_260 = tpu.vector_load %arg11[%swap3A_258, %swap3A_259] {strides = array<i32>} : memref<128x128xf32, #tpu.memory_space<vmem>>, vector<1x16xf32>,
      %swap3A_261 = vector.shape_cast %swap3A_260 : vector<1x16xf32> to vector<16xf32>
      %swap3A_262 = vector.shape_cast %add3A_257 : vector<16xf32> to vector<1x16xf32>
      tpu.vector_store %arg11[%swap3A_258, %swap3A_259], %swap3A_262 {strides = array<i32>} : memref<128x128xf32, #tpu.memory_space<vmem>>, vector<1x16xf32>,
      %get3A_263 = arith.index_cast %scan3A_224 : i32 to index
      %get3A_264 = arith.constant 48 : index
      %get3A_265 = tpu.vector_load %arg8[%get3A_263, %get3A_264] {strides = array<i32>} : memref<128x128xf32, #tpu.memory_space<vmem>>, vector<1x16xf32>,
      %get3A_266 = vector.shape_cast %get3A_265 : vector<1x16xf32> to vector<16xf32>
      %mul3A_267 = arith.constant 11.3137083 : f32
      %mul3A_268 = vector.broadcast %mul3A_267 : f32 to vector<16xf32>
      %mul3A_269 = arith.mulf %get3A_266, %mul3A_268 : vector<16xf32>
      %add3A_270 = arith.addf %mul3A_269, %get3A_94 : vector<16xf32>
      %swap3A_271 = arith.index_cast %scan3A_224 : i32 to index
      %swap3A_272 = arith.constant 48 : index
      %swap3A_273 = tpu.vector_load %arg11[%swap3A_271, %swap3A_272] {strides = array<i32>} : memref<128x128xf32, #tpu.memory_space<vmem>>, vector<1x16xf32>,
      %swap3A_274 = vector.shape_cast %swap3A_273 : vector<1x16xf32> to vector<16xf32>
      %swap3A_275 = vector.shape_cast %add3A_270 : vector<16xf32> to vector<1x16xf32>
      tpu.vector_store %arg11[%swap3A_271, %swap3A_272], %swap3A_275 {strides = array<i32>} : memref<128x128xf32, #tpu.memory_space<vmem>>, vector<1x16xf32>,
      %get3A_276 = arith.index_cast %scan3A_224 : i32 to index
      %get3A_277 = arith.constant 64 : index
      %get3A_278 = tpu.vector_load %arg8[%get3A_276, %get3A_277] {strides = array<i32>} : memref<128x128xf32, #tpu.memory_space<vmem>>, vector<1x16xf32>,
      %get3A_279 = vector.shape_cast %get3A_278 : vector<1x16xf32> to vector<16xf32>
      %mul3A_280 = arith.constant 11.3137083 : f32
      %mul3A_281 = vector.broadcast %mul3A_280 : f32 to vector<16xf32>
      %mul3A_282 = arith.mulf %get3A_279, %mul3A_281 : vector<16xf32>
      %add3A_283 = arith.addf %mul3A_282, %get3A_98 : vector<16xf32>
      %swap3A_284 = arith.index_cast %scan3A_224 : i32 to index
      %swap3A_285 = arith.constant 64 : index
      %swap3A_286 = tpu.vector_load %arg11[%swap3A_284, %swap3A_285] {strides = array<i32>} : memref<128x128xf32, #tpu.memory_space<vmem>>, vector<1x16xf32>,
      %swap3A_287 = vector.shape_cast %swap3A_286 : vector<1x16xf32> to vector<16xf32>
      %swap3A_288 = vector.shape_cast %add3A_283 : vector<16xf32> to vector<1x16xf32>
      tpu.vector_store %arg11[%swap3A_284, %swap3A_285], %swap3A_288 {strides = array<i32>} : memref<128x128xf32, #tpu.memory_space<vmem>>, vector<1x16xf32>,
      %get3A_289 = arith.index_cast %scan3A_224 : i32 to index
      %get3A_290 = arith.constant 80 : index
      %get3A_291 = tpu.vector_load %arg8[%get3A_289, %get3A_290] {strides = array<i32>} : memref<128x128xf32, #tpu.memory_space<vmem>>, vector<1x16xf32>,
      %get3A_292 = vector.shape_cast %get3A_291 : vector<1x16xf32> to vector<16xf32>
      %mul3A_293 = arith.constant 11.3137083 : f32
      %mul3A_294 = vector.broadcast %mul3A_293 : f32 to vector<16xf32>
      %mul3A_295 = arith.mulf %get3A_292, %mul3A_294 : vector<16xf32>
      %add3A_296 = arith.addf %mul3A_295, %get3A_102 : vector<16xf32>
      %swap3A_297 = arith.index_cast %scan3A_224 : i32 to index
      %swap3A_298 = arith.constant 80 : index
      %swap3A_299 = tpu.vector_load %arg11[%swap3A_297, %swap3A_298] {strides = array<i32>} : memref<128x128xf32, #tpu.memory_space<vmem>>, vector<1x16xf32>,
      %swap3A_300 = vector.shape_cast %swap3A_299 : vector<1x16xf32> to vector<16xf32>
      %swap3A_301 = vector.shape_cast %add3A_296 : vector<16xf32> to vector<1x16xf32>
      tpu.vector_store %arg11[%swap3A_297, %swap3A_298], %swap3A_301 {strides = array<i32>} : memref<128x128xf32, #tpu.memory_space<vmem>>, vector<1x16xf32>,
      %get3A_302 = arith.index_cast %scan3A_224 : i32 to index
      %get3A_303 = arith.constant 96 : index
      %get3A_304 = tpu.vector_load %arg8[%get3A_302, %get3A_303] {strides = array<i32>} : memref<128x128xf32, #tpu.memory_space<vmem>>, vector<1x16xf32>,
      %get3A_305 = vector.shape_cast %get3A_304 : vector<1x16xf32> to vector<16xf32>
      %mul3A_306 = arith.constant 11.3137083 : f32
      %mul3A_307 = vector.broadcast %mul3A_306 : f32 to vector<16xf32>
      %mul3A_308 = arith.mulf %get3A_305, %mul3A_307 : vector<16xf32>
      %add3A_309 = arith.addf %mul3A_308, %get3A_106 : vector<16xf32>
      %swap3A_310 = arith.index_cast %scan3A_224 : i32 to index
      %swap3A_311 = arith.constant 96 : index
      %swap3A_312 = tpu.vector_load %arg11[%swap3A_310, %swap3A_311] {strides = array<i32>} : memref<128x128xf32, #tpu.memory_space<vmem>>, vector<1x16xf32>,
      %swap3A_313 = vector.shape_cast %swap3A_312 : vector<1x16xf32> to vector<16xf32>
      %swap3A_314 = vector.shape_cast %add3A_309 : vector<16xf32> to vector<1x16xf32>
      tpu.vector_store %arg11[%swap3A_310, %swap3A_311], %swap3A_314 {strides = array<i32>} : memref<128x128xf32, #tpu.memory_space<vmem>>, vector<1x16xf32>,
      %get3A_315 = arith.index_cast %scan3A_224 : i32 to index
      %get3A_316 = arith.constant 112 : index
      %get3A_317 = tpu.vector_load %arg8[%get3A_315, %get3A_316] {strides = array<i32>} : memref<128x128xf32, #tpu.memory_space<vmem>>, vector<1x16xf32>,
      %get3A_318 = vector.shape_cast %get3A_317 : vector<1x16xf32> to vector<16xf32>
      %mul3A_319 = arith.constant 11.3137083 : f32
      %mul3A_320 = vector.broadcast %mul3A_319 : f32 to vector<16xf32>
      %mul3A_321 = arith.mulf %get3A_318, %mul3A_320 : vector<16xf32>
      %add3A_322 = arith.addf %mul3A_321, %get3A_110 : vector<16xf32>
      %swap3A_323 = arith.index_cast %scan3A_224 : i32 to index
      %swap3A_324 = arith.constant 112 : index
      %swap3A_325 = tpu.vector_load %arg11[%swap3A_323, %swap3A_324] {strides = array<i32>} : memref<128x128xf32, #tpu.memory_space<vmem>>, vector<1x16xf32>,
      %swap3A_326 = vector.shape_cast %swap3A_325 : vector<1x16xf32> to vector<16xf32>
      %swap3A_327 = vector.shape_cast %add3A_322 : vector<16xf32> to vector<1x16xf32>
      tpu.vector_store %arg11[%swap3A_323, %swap3A_324], %swap3A_327 {strides = array<i32>} : memref<128x128xf32, #tpu.memory_space<vmem>>, vector<1x16xf32>,
    }
    %scan3A_116 = arith.constant 128 : i32
    %add3A_117 = arith.constant 6144 : i32
    %add3A_118 = arith.addi %mul3A_2, %add3A_117 : i32
    %dma_start3A_119 = arith.constant 0 : i32
    %dma_start3A_120 = tpu.memref_slice %arg5[%add3A_118, %dma_start3A_119] : memref<204800x128xf32, #tpu.memory_space<hbm>> -> memref<128x128xf32, #tpu.memory_space<hbm>>
    %dma_start3A_121 = arith.constant 0 : i32
    %dma_start3A_122 = tpu.memref_slice %arg5[%add3A_118, %dma_start3A_121] : memref<204800x128xf32, #tpu.memory_space<hbm>> -> memref<128x128xf32, #tpu.memory_space<hbm>>
    tpu.enqueue_dma source(%arg11 : memref<128x128xf32, #tpu.memory_space<vmem>>) target(%dma_start3A_122 : memref<128x128xf32, #tpu.memory_space<hbm>>) target_semaphore(%arg17 : memref<!tpu.dma_semaphore, #tpu.memory_space<semaphore_mem>>)
    %dma_wait3A_123 = arith.constant 0 : i32
    %dma_wait3A_124 = arith.constant 0 : i32
    %dma_wait3A_125 = tpu.memref_slice %arg3[%dma_wait3A_123, %dma_wait3A_124] : memref<1000000x128xf32, #tpu.memory_space<hbm>> -> memref<128x128xf32, #tpu.memory_space<hbm>>
    %dma_wait3A_126 = arith.constant 0 : i32
    %dma_wait3A_127 = arith.constant 0 : i32
    %dma_wait3A_128 = tpu.memref_slice %arg3[%dma_wait3A_126, %dma_wait3A_127] : memref<1000000x128xf32, #tpu.memory_space<hbm>> -> memref<128x128xf32, #tpu.memory_space<hbm>>
    tpu.wait_dma2 semaphore(%arg15 : memref<!tpu.dma_semaphore, #tpu.memory_space<semaphore_mem>>) src(%dma_wait3A_128 : memref<128x128xf32, #tpu.memory_space<hbm>>) dst(%arg9 : memref<128x128xf32, #tpu.memory_space<vmem>>)
    %dma_wait3A_129 = arith.constant 0 : i32
    %dma_wait3A_130 = arith.constant 0 : i32
    %dma_wait3A_131 = tpu.memref_slice %arg5[%dma_wait3A_129, %dma_wait3A_130] : memref<204800x128xf32, #tpu.memory_space<hbm>> -> memref<128x128xf32, #tpu.memory_space<hbm>>
    %dma_wait3A_132 = arith.constant 0 : i32
    %dma_wait3A_133 = arith.constant 0 : i32
    %dma_wait3A_134 = tpu.memref_slice %arg5[%dma_wait3A_132, %dma_wait3A_133] : memref<204800x128xf32, #tpu.memory_space<hbm>> -> memref<128x128xf32, #tpu.memory_space<hbm>>
    tpu.wait_dma2 semaphore(%arg18 : memref<!tpu.dma_semaphore, #tpu.memory_space<semaphore_mem>>) src(%arg12 : memref<128x128xf32, #tpu.memory_space<vmem>>) dst(%dma_wait3A_134 : memref<128x128xf32, #tpu.memory_space<hbm>>)
    %add3A_135 = arith.constant 6272 : i32
    %add3A_136 = arith.addi %mul3A_2, %add3A_135 : i32
    %jit3A_137 = arith.constant 1024 : i32
    %div3A_138 = arith.divsi %add3A_136, %jit3A_137 : i32
    %sign3A_139 = arith.constant 0 : i32
    %sign3A_140 = arith.cmpi sgt, %add3A_136, %sign3A_139 : i32
    %sign3A_141 = arith.extui %sign3A_140 : i1 to i32
    %sign3A_142 = arith.constant 0 : i32
    %sign3A_143 = arith.cmpi slt, %add3A_136, %sign3A_142 : i32
    %sign3A_144 = arith.extui %sign3A_143 : i1 to i32
    %sign3A_145 = arith.subi %sign3A_141, %sign3A_144 : i32
    %sign3A_146 = arith.constant 0 : i32
    %sign3A_147 = arith.cmpi sgt, %jit3A_137, %sign3A_146 : i32
    %sign3A_148 = arith.extui %sign3A_147 : i1 to i32
    %sign3A_149 = arith.constant 0 : i32
    %sign3A_150 = arith.cmpi slt, %jit3A_137, %sign3A_149 : i32
    %sign3A_151 = arith.extui %sign3A_150 : i1 to i32
    %sign3A_152 = arith.subi %sign3A_148, %sign3A_151 : i32
    %ne3A_153 = arith.cmpi ne, %sign3A_145, %sign3A_152 : i32
    %rem3A_154 = arith.remsi %add3A_136, %jit3A_137 : i32
    %ne3A_155 = arith.constant 0 : i32
    %ne3A_156 = arith.cmpi ne, %rem3A_154, %ne3A_155 : i32
    %and3A_157 = arith.andi %ne3A_153, %ne3A_156 : i1
    %sub3A_158 = arith.constant 1 : i32
    %sub3A_159 = arith.subi %div3A_138, %sub3A_158 : i32
    %select_n3A_160 = arith.select %and3A_157, %sub3A_159, %div3A_138 : i32
    %sub3A_161 = arith.subi %select_n3A_160, %multiple_of3A : i32
    %get3A_162 = arith.index_cast %sub3A_161 : i32 to index
    %get3A_163 = arith.constant 0 : index
    %get3A_164 = tpu.vector_load %arg7[%get3A_162, %get3A_163] {strides = array<i32>} : memref<16x128xf32, #tpu.memory_space<vmem>>, vector<1x16xf32>,
    %get3A_165 = vector.shape_cast %get3A_164 : vector<1x16xf32> to vector<16xf32>
    %get3A_166 = arith.index_cast %sub3A_161 : i32 to index
    %get3A_167 = arith.constant 16 : index
    %get3A_168 = tpu.vector_load %arg7[%get3A_166, %get3A_167] {strides = array<i32>} : memref<16x128xf32, #tpu.memory_space<vmem>>, vector<1x16xf32>,
    %get3A_169 = vector.shape_cast %get3A_168 : vector<1x16xf32> to vector<16xf32>
    %get3A_170 = arith.index_cast %sub3A_161 : i32 to index
    %get3A_171 = arith.constant 32 : index
    %get3A_172 = tpu.vector_load %arg7[%get3A_170, %get3A_171] {strides = array<i32>} : memref<16x128xf32, #tpu.memory_space<vmem>>, vector<1x16xf32>,
    %get3A_173 = vector.shape_cast %get3A_172 : vector<1x16xf32> to vector<16xf32>
    %get3A_174 = arith.index_cast %sub3A_161 : i32 to index
    %get3A_175 = arith.constant 48 : index
    %get3A_176 = tpu.vector_load %arg7[%get3A_174, %get3A_175] {strides = array<i32>} : memref<16x128xf32, #tpu.memory_space<vmem>>, vector<1x16xf32>,
    %get3A_177 = vector.shape_cast %get3A_176 : vector<1x16xf32> to vector<16xf32>
    %get3A_178 = arith.index_cast %sub3A_161 : i32 to index
    %get3A_179 = arith.constant 64 : index
    %get3A_180 = tpu.vector_load %arg7[%get3A_178, %get3A_179] {strides = array<i32>} : memref<16x128xf32, #tpu.memory_space<vmem>>, vector<1x16xf32>,
    %get3A_181 = vector.shape_cast %get3A_180 : vector<1x16xf32> to vector<16xf32>
    %get3A_182 = arith.index_cast %sub3A_161 : i32 to index
    %get3A_183 = arith.constant 80 : index
    %get3A_184 = tpu.vector_load %arg7[%get3A_182, %get3A_183] {strides = array<i32>} : memref<16x128xf32, #tpu.memory_space<vmem>>, vector<1x16xf32>,
    %get3A_185 = vector.shape_cast %get3A_184 : vector<1x16xf32> to vector<16xf32>
    %get3A_186 = arith.index_cast %sub3A_161 : i32 to index
    %get3A_187 = arith.constant 96 : index
    %get3A_188 = tpu.vector_load %arg7[%get3A_186, %get3A_187] {strides = array<i32>} : memref<16x128xf32, #tpu.memory_space<vmem>>, vector<1x16xf32>,
    %get3A_189 = vector.shape_cast %get3A_188 : vector<1x16xf32> to vector<16xf32>
    %get3A_190 = arith.index_cast %sub3A_161 : i32 to index
    %get3A_191 = arith.constant 112 : index
    %get3A_192 = tpu.vector_load %arg7[%get3A_190, %get3A_191] {strides = array<i32>} : memref<16x128xf32, #tpu.memory_space<vmem>>, vector<1x16xf32>,
    %get3A_193 = vector.shape_cast %get3A_192 : vector<1x16xf32> to vector<16xf32>
    %scan3A_194 = arith.constant 0 : i32
    %scan3A_195 = arith.constant 0 : i32
    %scan3A_196 = arith.constant 128 : i32
    %scan3A_197 = arith.addi %scan3A_195, %scan3A_196 : i32
    %scan3A_198 = arith.constant 1 : i32
    scf.for %scan3A_224 = %scan3A_195 to %scan3A_197 step %scan3A_198  : i32 {
      %get3A_225 = arith.index_cast %scan3A_224 : i32 to index
      %get3A_226 = arith.constant 0 : index
      %get3A_227 = tpu.vector_load %arg9[%get3A_225, %get3A_226] {strides = array<i32>} : memref<128x128xf32, #tpu.memory_space<vmem>>, vector<1x16xf32>,
      %get3A_228 = vector.shape_cast %get3A_227 : vector<1x16xf32> to vector<16xf32>
      %mul3A_229 = arith.constant 11.3137083 : f32
      %mul3A_230 = vector.broadcast %mul3A_229 : f32 to vector<16xf32>
      %mul3A_231 = arith.mulf %get3A_228, %mul3A_230 : vector<16xf32>
      %add3A_232 = arith.addf %mul3A_231, %get3A_165 : vector<16xf32>
      %swap3A = arith.index_cast %scan3A_224 : i32 to index
      %swap3A_233 = arith.constant 0 : index
      %swap3A_234 = tpu.vector_load %arg12[%swap3A, %swap3A_233] {strides = array<i32>} : memref<128x128xf32, #tpu.memory_space<vmem>>, vector<1x16xf32>,
      %swap3A_235 = vector.shape_cast %swap3A_234 : vector<1x16xf32> to vector<16xf32>
      %swap3A_236 = vector.shape_cast %add3A_232 : vector<16xf32> to vector<1x16xf32>
      tpu.vector_store %arg12[%swap3A, %swap3A_233], %swap3A_236 {strides = array<i32>} : memref<128x128xf32, #tpu.memory_space<vmem>>, vector<1x16xf32>,
      %get3A_237 = arith.index_cast %scan3A_224 : i32 to index
      %get3A_238 = arith.constant 16 : index
      %get3A_239 = tpu.vector_load %arg9[%get3A_237, %get3A_238] {strides = array<i32>} : memref<128x128xf32, #tpu.memory_space<vmem>>, vector<1x16xf32>,
      %get3A_240 = vector.shape_cast %get3A_239 : vector<1x16xf32> to vector<16xf32>
      %mul3A_241 = arith.constant 11.3137083 : f32
      %mul3A_242 = vector.broadcast %mul3A_241 : f32 to vector<16xf32>
      %mul3A_243 = arith.mulf %get3A_240, %mul3A_242 : vector<16xf32>
      %add3A_244 = arith.addf %mul3A_243, %get3A_169 : vector<16xf32>
      %swap3A_245 = arith.index_cast %scan3A_224 : i32 to index
      %swap3A_246 = arith.constant 16 : index
      %swap3A_247 = tpu.vector_load %arg12[%swap3A_245, %swap3A_246] {strides = array<i32>} : memref<128x128xf32, #tpu.memory_space<vmem>>, vector<1x16xf32>,
      %swap3A_248 = vector.shape_cast %swap3A_247 : vector<1x16xf32> to vector<16xf32>
      %swap3A_249 = vector.shape_cast %add3A_244 : vector<16xf32> to vector<1x16xf32>
      tpu.vector_store %arg12[%swap3A_245, %swap3A_246], %swap3A_249 {strides = array<i32>} : memref<128x128xf32, #tpu.memory_space<vmem>>, vector<1x16xf32>,
      %get3A_250 = arith.index_cast %scan3A_224 : i32 to index
      %get3A_251 = arith.constant 32 : index
      %get3A_252 = tpu.vector_load %arg9[%get3A_250, %get3A_251] {strides = array<i32>} : memref<128x128xf32, #tpu.memory_space<vmem>>, vector<1x16xf32>,
      %get3A_253 = vector.shape_cast %get3A_252 : vector<1x16xf32> to vector<16xf32>
      %mul3A_254 = arith.constant 11.3137083 : f32
      %mul3A_255 = vector.broadcast %mul3A_254 : f32 to vector<16xf32>
      %mul3A_256 = arith.mulf %get3A_253, %mul3A_255 : vector<16xf32>
      %add3A_257 = arith.addf %mul3A_256, %get3A_173 : vector<16xf32>
      %swap3A_258 = arith.index_cast %scan3A_224 : i32 to index
      %swap3A_259 = arith.constant 32 : index
      %swap3A_260 = tpu.vector_load %arg12[%swap3A_258, %swap3A_259] {strides = array<i32>} : memref<128x128xf32, #tpu.memory_space<vmem>>, vector<1x16xf32>,
      %swap3A_261 = vector.shape_cast %swap3A_260 : vector<1x16xf32> to vector<16xf32>
      %swap3A_262 = vector.shape_cast %add3A_257 : vector<16xf32> to vector<1x16xf32>
      tpu.vector_store %arg12[%swap3A_258, %swap3A_259], %swap3A_262 {strides = array<i32>} : memref<128x128xf32, #tpu.memory_space<vmem>>, vector<1x16xf32>,
      %get3A_263 = arith.index_cast %scan3A_224 : i32 to index
      %get3A_264 = arith.constant 48 : index
      %get3A_265 = tpu.vector_load %arg9[%get3A_263, %get3A_264] {strides = array<i32>} : memref<128x128xf32, #tpu.memory_space<vmem>>, vector<1x16xf32>,
      %get3A_266 = vector.shape_cast %get3A_265 : vector<1x16xf32> to vector<16xf32>
      %mul3A_267 = arith.constant 11.3137083 : f32
      %mul3A_268 = vector.broadcast %mul3A_267 : f32 to vector<16xf32>
      %mul3A_269 = arith.mulf %get3A_266, %mul3A_268 : vector<16xf32>
      %add3A_270 = arith.addf %mul3A_269, %get3A_177 : vector<16xf32>
      %swap3A_271 = arith.index_cast %scan3A_224 : i32 to index
      %swap3A_272 = arith.constant 48 : index
      %swap3A_273 = tpu.vector_load %arg12[%swap3A_271, %swap3A_272] {strides = array<i32>} : memref<128x128xf32, #tpu.memory_space<vmem>>, vector<1x16xf32>,
      %swap3A_274 = vector.shape_cast %swap3A_273 : vector<1x16xf32> to vector<16xf32>
      %swap3A_275 = vector.shape_cast %add3A_270 : vector<16xf32> to vector<1x16xf32>
      tpu.vector_store %arg12[%swap3A_271, %swap3A_272], %swap3A_275 {strides = array<i32>} : memref<128x128xf32, #tpu.memory_space<vmem>>, vector<1x16xf32>,
      %get3A_276 = arith.index_cast %scan3A_224 : i32 to index
      %get3A_277 = arith.constant 64 : index
      %get3A_278 = tpu.vector_load %arg9[%get3A_276, %get3A_277] {strides = array<i32>} : memref<128x128xf32, #tpu.memory_space<vmem>>, vector<1x16xf32>,
      %get3A_279 = vector.shape_cast %get3A_278 : vector<1x16xf32> to vector<16xf32>
      %mul3A_280 = arith.constant 11.3137083 : f32
      %mul3A_281 = vector.broadcast %mul3A_280 : f32 to vector<16xf32>
      %mul3A_282 = arith.mulf %get3A_279, %mul3A_281 : vector<16xf32>
      %add3A_283 = arith.addf %mul3A_282, %get3A_181 : vector<16xf32>
      %swap3A_284 = arith.index_cast %scan3A_224 : i32 to index
      %swap3A_285 = arith.constant 64 : index
      %swap3A_286 = tpu.vector_load %arg12[%swap3A_284, %swap3A_285] {strides = array<i32>} : memref<128x128xf32, #tpu.memory_space<vmem>>, vector<1x16xf32>,
      %swap3A_287 = vector.shape_cast %swap3A_286 : vector<1x16xf32> to vector<16xf32>
      %swap3A_288 = vector.shape_cast %add3A_283 : vector<16xf32> to vector<1x16xf32>
      tpu.vector_store %arg12[%swap3A_284, %swap3A_285], %swap3A_288 {strides = array<i32>} : memref<128x128xf32, #tpu.memory_space<vmem>>, vector<1x16xf32>,
      %get3A_289 = arith.index_cast %scan3A_224 : i32 to index
      %get3A_290 = arith.constant 80 : index
      %get3A_291 = tpu.vector_load %arg9[%get3A_289, %get3A_290] {strides = array<i32>} : memref<128x128xf32, #tpu.memory_space<vmem>>, vector<1x16xf32>,
      %get3A_292 = vector.shape_cast %get3A_291 : vector<1x16xf32> to vector<16xf32>
      %mul3A_293 = arith.constant 11.3137083 : f32
      %mul3A_294 = vector.broadcast %mul3A_293 : f32 to vector<16xf32>
      %mul3A_295 = arith.mulf %get3A_292, %mul3A_294 : vector<16xf32>
      %add3A_296 = arith.addf %mul3A_295, %get3A_185 : vector<16xf32>
      %swap3A_297 = arith.index_cast %scan3A_224 : i32 to index
      %swap3A_298 = arith.constant 80 : index
      %swap3A_299 = tpu.vector_load %arg12[%swap3A_297, %swap3A_298] {strides = array<i32>} : memref<128x128xf32, #tpu.memory_space<vmem>>, vector<1x16xf32>,
      %swap3A_300 = vector.shape_cast %swap3A_299 : vector<1x16xf32> to vector<16xf32>
      %swap3A_301 = vector.shape_cast %add3A_296 : vector<16xf32> to vector<1x16xf32>
      tpu.vector_store %arg12[%swap3A_297, %swap3A_298], %swap3A_301 {strides = array<i32>} : memref<128x128xf32, #tpu.memory_space<vmem>>, vector<1x16xf32>,
      %get3A_302 = arith.index_cast %scan3A_224 : i32 to index
      %get3A_303 = arith.constant 96 : index
      %get3A_304 = tpu.vector_load %arg9[%get3A_302, %get3A_303] {strides = array<i32>} : memref<128x128xf32, #tpu.memory_space<vmem>>, vector<1x16xf32>,
      %get3A_305 = vector.shape_cast %get3A_304 : vector<1x16xf32> to vector<16xf32>
      %mul3A_306 = arith.constant 11.3137083 : f32
      %mul3A_307 = vector.broadcast %mul3A_306 : f32 to vector<16xf32>
      %mul3A_308 = arith.mulf %get3A_305, %mul3A_307 : vector<16xf32>
      %add3A_309 = arith.addf %mul3A_308, %get3A_189 : vector<16xf32>
      %swap3A_310 = arith.index_cast %scan3A_224 : i32 to index
      %swap3A_311 = arith.constant 96 : index
      %swap3A_312 = tpu.vector_load %arg12[%swap3A_310, %swap3A_311] {strides = array<i32>} : memref<128x128xf32, #tpu.memory_space<vmem>>, vector<1x16xf32>,
      %swap3A_313 = vector.shape_cast %swap3A_312 : vector<1x16xf32> to vector<16xf32>
      %swap3A_314 = vector.shape_cast %add3A_309 : vector<16xf32> to vector<1x16xf32>
      tpu.vector_store %arg12[%swap3A_310, %swap3A_311], %swap3A_314 {strides = array<i32>} : memref<128x128xf32, #tpu.memory_space<vmem>>, vector<1x16xf32>,
      %get3A_315 = arith.index_cast %scan3A_224 : i32 to index
      %get3A_316 = arith.constant 112 : index
      %get3A_317 = tpu.vector_load %arg9[%get3A_315, %get3A_316] {strides = array<i32>} : memref<128x128xf32, #tpu.memory_space<vmem>>, vector<1x16xf32>,
      %get3A_318 = vector.shape_cast %get3A_317 : vector<1x16xf32> to vector<16xf32>
      %mul3A_319 = arith.constant 11.3137083 : f32
      %mul3A_320 = vector.broadcast %mul3A_319 : f32 to vector<16xf32>
      %mul3A_321 = arith.mulf %get3A_318, %mul3A_320 : vector<16xf32>
      %add3A_322 = arith.addf %mul3A_321, %get3A_193 : vector<16xf32>
      %swap3A_323 = arith.index_cast %scan3A_224 : i32 to index
      %swap3A_324 = arith.constant 112 : index
      %swap3A_325 = tpu.vector_load %arg12[%swap3A_323, %swap3A_324] {strides = array<i32>} : memref<128x128xf32, #tpu.memory_space<vmem>>, vector<1x16xf32>,
      %swap3A_326 = vector.shape_cast %swap3A_325 : vector<1x16xf32> to vector<16xf32>
      %swap3A_327 = vector.shape_cast %add3A_322 : vector<16xf32> to vector<1x16xf32>
      tpu.vector_store %arg12[%swap3A_323, %swap3A_324], %swap3A_327 {strides = array<i32>} : memref<128x128xf32, #tpu.memory_space<vmem>>, vector<1x16xf32>,
    }
    %scan3A_199 = arith.constant 128 : i32
    %add3A_200 = arith.constant 6272 : i32
    %add3A_201 = arith.addi %mul3A_2, %add3A_200 : i32
    %dma_start3A_202 = arith.constant 0 : i32
    %dma_start3A_203 = tpu.memref_slice %arg5[%add3A_201, %dma_start3A_202] : memref<204800x128xf32, #tpu.memory_space<hbm>> -> memref<128x128xf32, #tpu.memory_space<hbm>>
    %dma_start3A_204 = arith.constant 0 : i32
    %dma_start3A_205 = tpu.memref_slice %arg5[%add3A_201, %dma_start3A_204] : memref<204800x128xf32, #tpu.memory_space<hbm>> -> memref<128x128xf32, #tpu.memory_space<hbm>>
    tpu.enqueue_dma source(%arg12 : memref<128x128xf32, #tpu.memory_space<vmem>>) target(%dma_start3A_205 : memref<128x128xf32, #tpu.memory_space<hbm>>) target_semaphore(%arg18 : memref<!tpu.dma_semaphore, #tpu.memory_space<semaphore_mem>>)
    %dma_wait3A_206 = arith.constant 0 : i32
    %dma_wait3A_207 = arith.constant 0 : i32
    %dma_wait3A_208 = tpu.memref_slice %arg5[%dma_wait3A_206, %dma_wait3A_207] : memref<204800x128xf32, #tpu.memory_space<hbm>> -> memref<128x128xf32, #tpu.memory_space<hbm>>
    %dma_wait3A_209 = arith.constant 0 : i32
    %dma_wait3A_210 = arith.constant 0 : i32
    %dma_wait3A_211 = tpu.memref_slice %arg5[%dma_wait3A_209, %dma_wait3A_210] : memref<204800x128xf32, #tpu.memory_space<hbm>> -> memref<128x128xf32, #tpu.memory_space<hbm>>
    tpu.wait_dma2 semaphore(%arg17 : memref<!tpu.dma_semaphore, #tpu.memory_space<semaphore_mem>>) src(%arg11 : memref<128x128xf32, #tpu.memory_space<vmem>>) dst(%dma_wait3A_211 : memref<128x128xf32, #tpu.memory_space<hbm>>)
    %dma_wait3A_212 = arith.constant 0 : i32
    %dma_wait3A_213 = arith.constant 0 : i32
    %dma_wait3A_214 = tpu.memref_slice %arg5[%dma_wait3A_212, %dma_wait3A_213] : memref<204800x128xf32, #tpu.memory_space<hbm>> -> memref<128x128xf32, #tpu.memory_space<hbm>>
    %dma_wait3A_215 = arith.constant 0 : i32
    %dma_wait3A_216 = arith.constant 0 : i32
    %dma_wait3A_217 = tpu.memref_slice %arg5[%dma_wait3A_215, %dma_wait3A_216] : memref<204800x128xf32, #tpu.memory_space<hbm>> -> memref<128x128xf32, #tpu.memory_space<hbm>>
    tpu.wait_dma2 semaphore(%arg18 : memref<!tpu.dma_semaphore, #tpu.memory_space<semaphore_mem>>) src(%arg12 : memref<128x128xf32, #tpu.memory_space<vmem>>) dst(%dma_wait3A_217 : memref<128x128xf32, #tpu.memory_space<hbm>>)
    %dma_wait3A_218 = arith.constant 0 : i32
    %dma_wait3A_219 = arith.constant 0 : i32
    %dma_wait3A_220 = tpu.memref_slice %arg5[%dma_wait3A_218, %dma_wait3A_219] : memref<204800x128xf32, #tpu.memory_space<hbm>> -> memref<128x128xf32, #tpu.memory_space<hbm>>
    %dma_wait3A_221 = arith.constant 0 : i32
    %dma_wait3A_222 = arith.constant 0 : i32
    %dma_wait3A_223 = tpu.memref_slice %arg5[%dma_wait3A_221, %dma_wait3A_222] : memref<204800x128xf32, #tpu.memory_space<hbm>> -> memref<128x128xf32, #tpu.memory_space<hbm>>
    tpu.wait_dma2 semaphore(%arg19 : memref<!tpu.dma_semaphore, #tpu.memory_space<semaphore_mem>>) src(%arg13 : memref<128x128xf32, #tpu.memory_space<vmem>>) dst(%dma_wait3A_223 : memref<128x128xf32, #tpu.memory_space<hbm>>)
    return
  }
}

</mosaic_0001>

<sc_bundles>
// kernel: kernel.3.cloned.1.call-start
scs
__scs_entry_jumppad:
0x0: {  	(pc) =	sbr.rel $0x88, $3  }
0x1: {  	(tag) =	ssettag $0x0;
	lr =	simm.s32 $0x1  }
0x2: {  	[smem:$0x3F9F] =	sst lr;
	_ =	strace $0xD0000000  }
0x3: {  	_ = 	snop  }
0x4: {  	_ = 	snop  }
0x5: {  	_ = 	snop  }
0x6: {  	_ = 	snop  }
0x7: {  	_ = 	snop  }
__scs_overlays_trampoline_lowered:
0x8: {  	[smem:$0x3FAE] =	sst s0  }
0x9: {  	[smem:$0x3FAF] =	sst s1  }
0xa: {  	[smem:$0x3FB0] =	sst s2  }
0xb: {  	[smem:$0x3FB1] =	sst s3  }
0xc: {  	[smem:$0x3FB2] =	sst s4  }
0xd: {  	[smem:$0x3FB3] =	sst s5  }
0xe: {  	[smem:$0x3FB4] =	sst s6  }
0xf: {  	[smem:$0x3FB5] =	sst s7  }
0x10: {  	[smem:$0x3FB6] =	sst s8  }
0x11: {  	[smem:$0x3FB7] =	sst s9;
	s0 =	simm.s32 @!p0 $0x0  }
0x12: {  	s1 =	sld [smem:$0x3F9D];
	s0 =	simm.s32 @p0 $0x1  }
0x13: {  	[smem:$0x3FB8] =	sst s0;
	s0 =	simm.s32 @!p1 $0x0  }
0x14: {  	s2 =	sld [smem:$0x3F9C];
	s0 =	simm.s32 @p1 $0x1  }
0x15: {  	[smem:$0x3FB9] =	sst s0;
	s0 =	simm.s32 @!p2 $0x0  }
0x16: {  	s3 =	sld [smem:$0x3FDB];
	s0 =	simm.s32 @p2 $0x1  }
0x17: {  	s4 =	simm.s32 $0x1BF5;
	[smem:$0x3FBB] =	sst s0  }
0x18: {  	s0 =	sld [smem:$0x3F9E];
	_ =	swait.ge [sflag:s4], $0x0  }
0x19: {  	s7 =	sld [smem:$0x3F9F]  }
0x1a: {  	s8 =	sadd.s32 $0xFFFFE003, lr  }
0x1b: {  	s9 =	sadd.s32 $0xFFFFFEF7, lr;
	s5 =	simm.s32 $0xFFFFFFFF;
	p2 =	slt.u32 s8, $0xFFFFF086  }
0x1c: {  	p1 =	slt.u32 s9, $0xF7A;
	s5 =	simm.s32 @!p2 $0x0  }
0x1d: {  	s5 =	simm.s32 @p1 $0x1;
	p0 =	seq.s32 s7, s2  }
0x1e: {  	s7 =	smul.u32 @!p0 $0xF7A, s2;
	p2 =	seq.s32 @!p0 s5, $0x0  }
0x1f: {  	s9 =	smul.u32 $0xF7A, s1;
	s8 =	simm.s32 @!p0 $0x1BF5;
	p2 =	por !p2, p0  }
0x20: {  	[sflag:s8] =	ssyncset.s32 @!p0 $0xFFFFF086;
	s6 =	sadd.s32 @!p0 s3, s7;
	s7 =	simm.s32 @!p0 $0x108  }
0x21: {  	s3 =	sadd.s32 s3, s9;
	s6 =	sadd.s32 @!p0 $0x88, s6;
	s7 =	simm.s32 @p2 $0x1082  }
0x22: {  	[simem:s7], [sflag:s8] =	dma.local @!p0 [hbm:s6], $0xF7A  }
0x23: {  	s9 =	sor.u32 $0xD0000000, s2;
	s6 =	simm.s32 $0x108;
	_ =	swait.ge @!p0 [sflag:s8], $0x0  }
0x24: {  	s3 =	sadd.s32 $0x88, s3;
	s6 =	simm.s32 @!p1 $0x1082;
	[sflag:s4] =	ssyncset.s32 $0xFFFFF086  }
0x25: {  	[simem:s6], [sflag:s4] =	dma.local [hbm:s3], $0xF7A  }
0x26: {  	[smem:$0x3F9F] =	sst s1;
	(tag) =	ssettag s2;
	_ =	strace s9  }
0x27: {  	s1 =	sld [smem:$0x3FAF]  }
0x28: {  	s2 =	sld [smem:$0x3FB0]  }
0x29: {  	s4 =	sld [smem:$0x3FB2]  }
0x2a: {  	p0 =	seq.s32 s5, $0x0;
	s5 =	sld [smem:$0x3FB3]  }
0x2b: {  	s6 =	sld [smem:$0x3FB4]  }
0x2c: {  	s7 =	sld [smem:$0x3FB5]  }
0x2d: {  	s3 =	simm.s32 $0x108;
	s8 =	sld [smem:$0x3FB6]  }
0x2e: {  	s3 =	simm.s32 @!p0 $0x1082;
	s9 =	sld [smem:$0x3FB7]  }
0x2f: {  	lr =	sadd.s32 s0, s3;
	s0 =	sld [smem:$0x3FAE]  }
0x30: {  	s3 =	sld [smem:$0x3FB1]  }
0x31: {  	[smem:$0x3FBA] =	sst s10  }
0x32: {  	s10 =	sld [smem:$0x3FB8];
	_ =	sdelay $0x3  }
0x33: {  	p0 =	seq.s32 s10, $0x1;
	s10 =	sld [smem:$0x3FBA];
	_ =	sdelay $0x3  }
0x34: {  	[smem:$0x3FBA] =	sst s10  }
0x35: {  	s10 =	sld [smem:$0x3FB9];
	_ =	sdelay $0x3  }
0x36: {  	p1 =	seq.s32 s10, $0x1;
	s10 =	sld [smem:$0x3FBA];
	_ =	sdelay $0x3  }
0x37: {  	[smem:$0x3FBA] =	sst s10  }
0x38: {  	s10 =	sld [smem:$0x3FBB]  }
0x39: {  	_ = 	snop;
	(pc) =	sbr.ind lr, $3  }
0x3a: {  	_ = 	snop  }
0x3b: {  	_ = 	snop  }
0x3c: {  	p2 =	seq.s32 s10, $0x1;
	s10 =	sld [smem:$0x3FBA]  }
0x3d: {  	_ =	shalt  }
0x3e: {  	_ =	shalt  }
0x3f: {  	_ =	shalt  }
0x40: {  	_ =	shalt  }
0x41: {  	_ =	shalt  }
0x42: {  	_ =	shalt  }
0x43: {  	_ =	shalt  }
0x44: {  	_ =	shalt  }
0x45: {  	_ =	shalt  }
0x46: {  	_ =	shalt  }
0x47: {  	_ =	shalt  }
0x48: {  	_ =	shalt  }
0x49: {  	_ =	shalt  }
0x4a: {  	_ =	shalt  }
0x4b: {  	_ =	shalt  }
0x4c: {  	_ =	shalt  }
0x4d: {  	_ =	shalt  }
0x4e: {  	_ =	shalt  }
0x4f: {  	_ =	shalt  }
0x50: {  	_ =	shalt  }
0x51: {  	_ =	shalt  }
0x52: {  	_ =	shalt  }
0x53: {  	_ =	shalt  }
0x54: {  	_ =	shalt  }
0x55: {  	_ =	shalt  }
0x56: {  	_ =	shalt  }
0x57: {  	_ =	shalt  }
0x58: {  	_ =	shalt  }
0x59: {  	_ =	shalt  }
0x5a: {  	_ =	shalt  }
0x5b: {  	_ =	shalt  }
0x5c: {  	_ =	shalt  }
0x5d: {  	_ =	shalt  }
0x5e: {  	_ =	shalt  }
0x5f: {  	_ =	shalt  }
0x60: {  	_ =	shalt  }
0x61: {  	_ =	shalt  }
0x62: {  	_ =	shalt  }
0x63: {  	_ =	shalt  }
0x64: {  	_ =	shalt  }
0x65: {  	_ =	shalt  }
0x66: {  	_ =	shalt  }
0x67: {  	_ =	shalt  }
0x68: {  	_ =	shalt  }
0x69: {  	_ =	shalt  }
0x6a: {  	_ =	shalt  }
0x6b: {  	_ =	shalt  }
0x6c: {  	_ =	shalt  }
0x6d: {  	_ =	shalt  }
0x6e: {  	_ =	shalt  }
0x6f: {  	_ =	shalt  }
0x70: {  	_ =	shalt  }
0x71: {  	_ =	shalt  }
0x72: {  	_ =	shalt  }
0x73: {  	_ =	shalt  }
0x74: {  	_ =	shalt  }
0x75: {  	_ =	shalt  }
0x76: {  	_ =	shalt  }
0x77: {  	_ =	shalt  }
0x78: {  	_ =	shalt  }
0x79: {  	_ =	shalt  }
0x7a: {  	_ =	shalt  }
0x7b: {  	_ =	shalt  }
0x7c: {  	_ =	shalt  }
0x7d: {  	_ =	shalt  }
0x7e: {  	_ =	shalt  }
0x7f: {  	_ =	shalt  }
0x80: {  	_ =	shalt  }
0x81: {  	_ =	shalt  }
0x82: {  	_ =	shalt  }
0x83: {  	_ =	shalt  }
0x84: {  	_ =	shalt  }
0x85: {  	_ =	shalt  }
0x86: {  	_ =	shalt  }
0x87: {  	_ =	shalt  }
.Lfunc_end0:
.L_simem_size_0:
called_computation_lowered:
.L_overlay_start_0:
0x88: {  	s2 =	sld [smem:$0x3FD9]  }
0x89: {  	s3 =	sld [smem:$0x3FFE];
	_ =	sdelay $0x1  }
0x8a: {  	s1 =	srdreg.scid  }
0x8b: {  	s0 =	sand.u32 $0x1, s1  }
0x8c: {  	s17 =	sshll.u32 s0, $0xA;
	s2 =	sadd.s32 s3, s2  }
0x8d: {  	s2 =	sadd.s32 s2, s17  }
0x8e: {  	[smem:$0x3FC6] =	sst s2  }
0x8f: {  	_ = 	snop  }
0x90: {  	s2 =	sld [smem:$0x3FC8]  }
0x91: {  	s18 =	sld [smem:$0x3FD0];
	(tm) =	ssettm $0x1  }
0x92: {  	s4 =	sld [smem:$0x3FFB];
	_ =	sdelay $0x3  }
0x93: {  	_ =	strace s4  }
0x94: {  	s4 =	sld [smem:$0x3FFC];
	_ =	sdelay $0x3  }
0x95: {  	_ =	strace s4  }
0x96: {  	s4 =	sld [smem:$0x3FFD];
	_ =	sdelay $0x3  }
0x97: {  	_ =	strace s4  }
0x98: {  	_ =	strace $0x8FFFFFFF  }
0x99: {  	s19 =	sld [smem:$0x3FDB];
	_ =	sdelay $0x1  }
0x9a: {  	s5 =	simm.s32 $_scs_section_size  }
0x9b: {  	s6 =	simm.s32 $_size__tile_overlayer_lowered;
	s7 =	simm.s32 $_tile_overlayer_lowered  }
0x9c: {  	s22 =	simm.s32 $0x1BFF;
	s21 =	sshll.u32 s7, $0x1;
	s4 =	sadd.s32 s5, s19  }
0x9d: {  	s8 =	simm.s32 $0x0;
	s20 =	sshll.u32 s6, $0x1;
	s6 =	sadd.s32 s21, s4  }
0x9e: {  	[timem:s8], [sflag:s22] =	dma.local [hbm:s6], s20  }
0x9f: {  	_ =	swait.ge [sflag:s22], s20  }
0xa0: {  	s5 =	ssub.s32 $0x0, s20;
	[sflag:s22] =	ssyncset.done $0x0  }
0xa1: {  	[sflag:s22] =	ssyncadd.s32 s5;
	_ =	sdelay $0x1  }
0xa2: {  	s23 =	simm.s32 $0x1B8B  }
0xa3: {  	_ =	swait.ge [sflag:s23], $0x1  }
0xa4: {  	[sflag:s23] =	ssyncset.done $0x0  }
0xa5: {  	s25 =	simm.s32 $0x1B8E;
	s24 =	sld [smem:$0x3FFE];
	[sflag:s23] =	ssyncadd.s32 $0xFFFFFFFF  }
0xa6: {  	s26 =	simm.s32 $execute0_lowered;
	[smem:$0x3FD2] =	sst s25  }
0xa7: {  	s6 =	sshll.u32 s26, $0x1;
	_ =	strace $0x80000046;
	[dreg:$0x1] =	wrdreg $0xFFFFFFFF  }
0xa8: {  	s28 =	simm.s32 $_size_execute0_lowered;
	s4 =	sadd.s32 s4, s6;
	[dreg:$0x0] =	wrdreg $0x0  }
0xa9: {  	s6 =	sshll.u32 s28, $0x1;
	[dreg:$0x2] =	wrdreg s4  }
0xaa: {  	[dreg:$0x3] =	wrdreg s6  }
0xab: {  	[dreg:$0x4] =	wrdreg $0xC0  }
0xac: {  	_ =	task [dreg:s8], $0x5FFFF  }
0xad: {  	[dreg:$0x1] =	wrdreg $0xFFFFFFFF  }
0xae: {  	[dreg:$0x0] =	wrdreg $0x60  }
0xaf: {  	[dreg:$0x2] =	wrdreg s24  }
0xb0: {  	[dreg:$0x3] =	wrdreg s2  }
0xb1: {  	[dreg:$0x4] =	wrdreg s18  }
0xb2: {  	[dreg:$0x5] =	wrdreg $0x9  }
0xb3: {  	_ =	task.clear_ibuf [dreg:s8], $0x6FFFF;
	_ =	strace $0x90000046  }
0xb4: {  	s29 =	simm.s32 $0x9;
	_ =	strace $0x80000048  }
0xb5: {  	_ =	swait.ge [sflag:s29], $0x1  }
0xb6: {  	[sflag:s29] =	ssyncadd.s32 $0xFFFFFFFF  }
0xb7: {  	_ =	strace $0x90000048  }
0xb8: {  	_ =	sfence  }
0xb9: {  	s30 =	sld [smem:$0x0];
	_ =	sdelay $0x2  }
0xba: {  	s31 =	sshll.u32 s1, $0xD;
	s1 =	sshrl.u32 s1, $0x2  }
0xbb: {  	s3 =	sand.u32 $0x4000, s31;
	s1 =	sadd.s32 s1, s30  }
0xbc: {  	s0 =	sor.u32 s3, s0;
	s1 =	sshll.u32 s1, $0x11  }
0xbd: {  	s0 =	sor.u32 s1, s0  }
0xbe: {  	s0 =	sadd.s32 $0x8F2B, s0  }
0xbf: {  	[sflag:s0] =	ssyncadd.remote.s32 $0x1  }
0xc0: {  	_ =	sfence.sel $0xFFFF  }
0xc1: {  	[dreg:$0x0] =	wrdreg $0xFFFFFFFF;
	(pc) =	sbr.abs _section_cstart, $3  }
0xc2: {  	[dreg:$0x1] =	wrdreg $0xFFFFFFFF  }
0xc3: {  	_ =	task.clear_ibuf [dreg:s8], $0x2FFFF;
	_ =	strace $0x9FFFFFFF  }
0xc4: {  	(tm) =	ssettm $0x7FFFFFFF  }
0xc5: {  	_ =	shalt  }
tec
execute0_lowered:
.L_overlay_start_1:
0x0: {  	(tag) =	ssettag $0x1  }
0x1: {  	s0 =	rddreg [dreg:$0x0]  }
0x2: {  	s2 =	rddreg [dreg:$0x1];
	s1 =	srdreg.scid  }
0x3: {  	s4 =	stileid.u32;
	s3 =	rddreg [dreg:$0x2]  }
0x4: {  	s16 =	simm.s32 $0x7;
	s18 =	simm.s32 $0x80;
	s28 =	simm.s32 $0x3  }
0x5: {  	s29 =	simm.s32 $0x16100;
	s1 =	sand.u32 $0x1, s1;
	s5 =	sshll.u32 s4, $0x1  }
0x6: {  	s30 =	simm.s32 $0x4;
	s4 =	simm.s32 $0x0;
	s5 =	sor.u32 s1, s5  }
0x7: {  	[smem:$0x7FF] =	sst s4;
	s1 =	ssub.s32 $0x2, s1;
	s5 =	smul.u32 $0x1900, s5  }
0x8: {  	s31 =	simm.s32 $0x5;
	_ =	strace $0x80000047;
	s19 =	sshrl.u32 s1, $0x1  }
0x9: {  	s1 =	ssub.s32 s1, s19;
	s19 =	simm.s32 $0x2100;
	s6 =	sshrl.u32 s5, $0x3  }
0xa: {  	s7 =	sshrl.u32 s5, $0xA;
	s20 =	sadd.s32 $0x1800, s5;
	s23 =	sadd.s32 $0x1880, s5  }
0xb: {  	s10 =	sadd.s32 $0x100, s5;
	s26 =	smax.u32 s1, $0x1;
	s1 =	simm.s32 $0x6  }
0xc: {  	s8 =	sadd.s32 s6, s0;
	s7 =	sand.u32 $0xF8, s7;
	s9 =	sshrl.u32 s20, $0xA  }
0xd: {  	s12 =	sshrl.u32 s23, $0xA;
	[dreg:$0x8] =	wrdreg s26;
	s26 =	simm.s32 $0x12100  }
0xe: {  	s6 =	smin.u32 s7, $0xB8;
	s8 =	sadd.s32 $0xE00, s8;
	s7 =	sshll.u32 s20, $0x4  }
0xf: {  	s20 =	simm.s32 $0x6100;
	[dreg:$0x4] =	wrdreg s8;
	s21 =	sshll.u32 s6, $0x4  }
0x10: {  	s22 =	ssub.s32 s9, s6;
	s9 =	sor.u32 $0x80, s5;
	s7 =	sadd.s32 s3, s7  }
0x11: {  	s8 =	sshll.u32 s23, $0x4;
	s0 =	sadd.s32 s0, s21;
	[dreg:$0x6] =	wrdreg s7  }
0x12: {  	s24 =	ssub.s32 s12, s6;
	s25 =	sadd.s32 s3, s8;
	[dreg:$0x5] =	wrdreg s0  }
0x13: {  	s23 =	simm.s32 $0x1;
	s0 =	sshll.u32 s22, $0x9;
	[dreg:$0x7] =	wrdreg s25  }
0x14: {  	s25 =	simm.s32 $0x2;
	s11 =	sshra.s32 s0, $0x2;
	s0 =	sshll.u32 s24, $0x9  }
0x15: {  	s24 =	simm.s32 $0xE100;
	s13 =	sshra.s32 s0, $0x2;
	s0 =	simm.s32 $0x0  }
.LBB2_1:
0x16: {  	s7 =	rddreg [dreg:$0x4]  }
0x17: {  	[tilespmem:s4], [sflag:$0x7] =	stream.linear.gather [hbm4b:s7+s4], $0x1900, $0x38;
	[tilespmem:$0x1A100] =	vst v63  }
0x18: {  	_ =	swait.ge [sflag:s16], $0x1900  }
0x19: {  	[sflag:s16] =	ssyncset.done $0x0  }
0x1a: {  	s8 =	simm.s32 $0x1900;
	s17 =	rddreg [dreg:$0x5];
	[sflag:s16] =	ssyncadd.s32 $0xFFFFE700  }
0x1b: {  	[tilespmem:s8], [sflag:$0x7] =	stream.linear.gather [hbm4b:s17+s4], $0x800, $0x38;
	[tilespmem:$0x1A100] =	vst v63  }
0x1c: {  	_ =	swait.ge [sflag:s16], $0x800  }
0x1d: {  	[sflag:s16] =	ssyncset.done $0x0  }
0x1e: {  	[sflag:s16] =	ssyncadd.s32 $0xFFFFF800  }
0x1f: {  	[tilespmem:s19], [sflag:$0x1] =	stream.indirect.gather [hbm4b:s2+s18], $0x80, s4, s18, $0xb8;
	[tilespmem:$0x1A100] =	vst v63  }
0x20: {  	_ = 	snop  }
0x21: {  	[tilespmem:s20], [sflag:$0x2] =	stream.indirect.gather [hbm4b:s2+s18], $0x80, s18, s18, $0xb8;
	[tilespmem:$0x1A100] =	vst v63  }
0x22: {  	s21 =	simm.s32 $0x100;
	s22 =	simm.s32 $0xA100;
	s17 =	simm.s32 $0x0  }
0x23: {  	[tilespmem:s22], [sflag:$0x3] =	stream.indirect.gather [hbm4b:s2+s18], $0x80, s21, s18, $0xb8;
	[tilespmem:$0x1A100] =	vst v63  }
.LBB2_2:
0x24: {  	_ =	swait.ge [sflag:s23], $0x4000  }
0x25: {  	p0 =	seq.s32 s17, $0x0;
	[sflag:s23] =	ssyncset.done $0x0  }
0x26: {  	s8 =	simm.s32 @!p0 $0x4;
	[sflag:s23] =	ssyncadd.s32 $0xFFFFC000  }
0x27: {  	_ =	swait.ge @!p0 [sflag:s8], $0x4000  }
0x28: {  	[sflag:s8] =	ssyncset.done @!p0 $0x0  }
0x29: {  	[sflag:s8] =	ssyncadd.s32 @!p0 $0xFFFFC000;
	s8 =	simm.s32 $0x0  }
0x2a: {  	v8 =	vld [tilespmem:s8+$0x2170]  }
0x2b: {  	s21 =	smul.u32 $0x180, s17;
	v9 =	vld [tilespmem:s8+$0x2100]  }
0x2c: {  	v10 =	vld [tilespmem:s8+$0x2110]  }
0x2d: {  	s7 =	sadd.s32 s5, s21;
	v11 =	vld [tilespmem:s8+$0x2120]  }
0x2e: {  	s12 =	sshrl.u32 s7, $0xA;
	v12 =	vld [tilespmem:s8+$0x2130]  }
0x2f: {  	s12 =	ssub.s32 s12, s6;
	v13 =	vld [tilespmem:s8+$0x2140]  }
0x30: {  	s12 =	sshll.u32 s12, $0x9;
	v14 =	vld [tilespmem:s8+$0x2150]  }
0x31: {  	s22 =	sshra.s32 s12, $0x2;
	v15 =	vld [tilespmem:s8+$0x2160]  }
0x32: {  	v6 =	vld [tilespmem:s22+$0x1900]  }
0x33: {  	v5 =	vld [tilespmem:s22+$0x1910]  }
0x34: {  	v7 =	vld [tilespmem:s22+$0x1970]  }
0x35: {  	v4 =	vld [tilespmem:s22+$0x1920]  }
0x36: {  	v3 =	vld [tilespmem:s22+$0x1930]  }
0x37: {  	v2 =	vld [tilespmem:s22+$0x1940];
	v8 =	vmul.f32 $1.131370830e+01, v8  }
0x38: {  	v1 =	vld [tilespmem:s22+$0x1950];
	v9 =	vmul.f32 $1.131370830e+01, v9  }
0x39: {  	v0 =	vld [tilespmem:s22+$0x1960];
	s22 =	simm.s32 $0x80;
	v10 =	vmul.f32 $1.131370830e+01, v10;
	v8 =	vadd.f32 v8, v7  }
0x3a: {  	v16 =	vld [tilespmem:s22+$0x2170];
	v9 =	vadd.f32 v9, v6  }
0x3b: {  	v17 =	vld [tilespmem:s22+$0x2100];
	v10 =	vadd.f32 v10, v5;
	[tilespmem:s8+$0xE170] =	vst v8;
	v8 =	vmul.f32 $1.131370830e+01, v11  }
0x3c: {  	v12 =	vmul.f32 $1.131370830e+01, v12;
	v18 =	vld [tilespmem:s22+$0x2110];
	[tilespmem:s8+$0xE100] =	vst v9  }
0x3d: {  	v11 =	vld [tilespmem:s22+$0x2120];
	v8 =	vadd.f32 v8, v4;
	[tilespmem:s8+$0xE110] =	vst v10;
	v10 =	vmul.f32 $1.131370830e+01, v13  }
0x3e: {  	v12 =	vadd.f32 v12, v3;
	v13 =	vmul.f32 $1.131370830e+01, v14  }
0x3f: {  	v15 =	vmul.f32 $1.131370830e+01, v15;
	v9 =	vld [tilespmem:s22+$0x2130];
	[tilespmem:s8+$0xE120] =	vst v8;
	v14 =	vadd.f32 v10, v2  }
0x40: {  	v16 =	vmul.f32 $1.131370830e+01, v16;
	v19 =	vadd.f32 v13, v1;
	v8 =	vld [tilespmem:s22+$0x2140];
	[tilespmem:s8+$0xE130] =	vst v12  }
0x41: {  	v15 =	vadd.f32 v15, v0;
	v13 =	vmul.f32 $1.131370830e+01, v17;
	v10 =	vld [tilespmem:s22+$0x2150];
	[tilespmem:s8+$0xE140] =	vst v14  }
0x42: {  	s14 =	simm.s32 $0x600;
	s12 =	simm.s32 $0x100;
	v16 =	vadd.f32 v16, v7;
	v14 =	vmul.f32 $1.131370830e+01, v18;
	v12 =	vld [tilespmem:s22+$0x2160];
	[tilespmem:s8+$0xE150] =	vst v19  }
.LBB2_3:
0x43: {  	p1 =	sne.s32 s14, $0xFE00;
	v17 =	vld [tilespmem:s12+$0x2170];
	v13 =	vadd.f32 v13, v6;
	v11 =	vmul.f32 $1.131370830e+01, v11;
	[tilespmem:s8+$0xE160] =	vst v15;
	s8 =	smov.u32 s22;
	s22 =	smov.u32 s12  }
0x44: {  	v15 =	vld [tilespmem:s22+$0x2100];
	v14 =	vadd.f32 v14, v5;
	v9 =	vmul.f32 $1.131370830e+01, v9;
	[tilespmem:s8+$0xE170] =	vst v16  }
0x45: {  	v16 =	vld [tilespmem:s22+$0x2110];
	[tilespmem:s8+$0xE100] =	vst v13;
	v13 =	vadd.f32 v11, v4;
	v8 =	vmul.f32 $1.131370830e+01, v8  }
.Ltmp0:
0x46: {  	v11 =	vld [tilespmem:s22+$0x2120];
	[tilespmem:s8+$0xE110] =	vst v14;
	v14 =	vadd.f32 v9, v3;
	v10 =	vmul.f32 $1.131370830e+01, v10;
	(pc) =	sbr.rel @p1 .LBB2_3-.Ltmp0, $4  }
0x47: {  	v9 =	vld [tilespmem:s22+$0x2130];
	[tilespmem:s8+$0xE120] =	vst v13;
	v18 =	vadd.f32 v8, v2;
	v12 =	vmul.f32 $1.131370830e+01, v12  }
0x48: {  	v8 =	vld [tilespmem:s22+$0x2140];
	v17 =	vmul.f32 $1.131370830e+01, v17;
	[tilespmem:s8+$0xE130] =	vst v14;
	v19 =	vadd.f32 v10, v1  }
0x49: {  	v13 =	vmul.f32 $1.131370830e+01, v15;
	v10 =	vld [tilespmem:s22+$0x2150];
	[tilespmem:s8+$0xE140] =	vst v18;
	v15 =	vadd.f32 v12, v0  }
0x4a: {  	s12 =	sshra.s32 s14, $0x2;
	s14 =	sadd.s32 $0x200, s14;
	v14 =	vmul.f32 $1.131370830e+01, v16;
	v12 =	vld [tilespmem:s22+$0x2160];
	v16 =	vadd.f32 v17, v7;
	[tilespmem:s8+$0xE150] =	vst v19  }
0x4b: {  	v17 =	vld [tilespmem:s12+$0x2170];
	[tilespmem:s8+$0xE160] =	vst v15;
	v13 =	vadd.f32 v13, v6;
	v11 =	vmul.f32 $1.131370830e+01, v11  }
0x4c: {  	v15 =	vld [tilespmem:s12+$0x2100];
	[tilespmem:s22+$0xE170] =	vst v16;
	v14 =	vadd.f32 v14, v5;
	v9 =	vmul.f32 $1.131370830e+01, v9  }
0x4d: {  	v16 =	vld [tilespmem:s12+$0x2110];
	[tilespmem:s22+$0xE100] =	vst v13;
	v11 =	vadd.f32 v11, v4  }
0x4e: {  	v8 =	vmul.f32 $1.131370830e+01, v8;
	v13 =	vld [tilespmem:s12+$0x2120];
	[tilespmem:s22+$0xE110] =	vst v14;
	v9 =	vadd.f32 v9, v3  }
0x4f: {  	v10 =	vmul.f32 $1.131370830e+01, v10;
	v14 =	vld [tilespmem:s12+$0x2130];
	[tilespmem:s22+$0xE120] =	vst v11  }
0x50: {  	v8 =	vadd.f32 v8, v2;
	v11 =	vld [tilespmem:s12+$0x2140];
	[tilespmem:s22+$0xE130] =	vst v9;
	v9 =	vmul.f32 $1.131370830e+01, v12  }
0x51: {  	v17 =	vmul.f32 $1.131370830e+01, v17;
	v10 =	vadd.f32 v10, v1  }
0x52: {  	v12 =	vld [tilespmem:s12+$0x2150];
	[tilespmem:s22+$0xE140] =	vst v8;
	v8 =	vmul.f32 $1.131370830e+01, v15;
	v9 =	vadd.f32 v9, v0  }
0x53: {  	v15 =	vld [tilespmem:s12+$0x2160];
	v16 =	vmul.f32 $1.131370830e+01, v16;
	v7 =	vadd.f32 v17, v7;
	[tilespmem:s22+$0xE150] =	vst v10  }
0x54: {  	v6 =	vadd.f32 v8, v6;
	v8 =	vmul.f32 $1.131370830e+01, v13;
	[tilespmem:s22+$0xE160] =	vst v9  }
0x55: {  	v5 =	vadd.f32 v16, v5;
	v9 =	vmul.f32 $1.131370830e+01, v14;
	[tilespmem:s12+$0xE170] =	vst v7  }
0x56: {  	[tilespmem:s12+$0xE100] =	vst v6;
	v4 =	vadd.f32 v8, v4;
	v6 =	vmul.f32 $1.131370830e+01, v11  }
0x57: {  	[tilespmem:s12+$0xE110] =	vst v5;
	v3 =	vadd.f32 v9, v3;
	v5 =	vmul.f32 $1.131370830e+01, v12  }
0x58: {  	[tilespmem:s12+$0xE120] =	vst v4;
	v2 =	vadd.f32 v6, v2;
	v4 =	vmul.f32 $1.131370830e+01, v15  }
0x59: {  	s22 =	smul.u32 $0x600, s17;
	[tilespmem:s12+$0xE130] =	vst v3;
	v1 =	vadd.f32 v5, v1  }
0x5a: {  	[tilespmem:s12+$0xE140] =	vst v2;
	v0 =	vadd.f32 v4, v0  }
0x5b: {  	s22 =	sshra.s32 s22, $0x2;
	[tilespmem:s12+$0xE150] =	vst v1  }
0x5c: {  	s7 =	sshll.u32 s7, $0x4;
	s8 =	sadd.s32 $0x180, s22;
	[tilespmem:s12+$0xE160] =	vst v0  }
0x5d: {  	[tilespmem:s19], [sflag:$0x1] =	stream.indirect.gather [hbm4b:s2+s18], $0x80, s8, s18, $0xb8;
	[tilespmem:$0x1A100] =	vst v63  }
0x5e: {  	s7 =	sadd.s32 s3, s7  }
0x5f: {  	[hbm4b:s7+s4] =	stream.linear.scatter [tilespmem:s24], [sflag:$0x4], $0x4000, $0x38;
	[tilespmem:$0x1A100] =	vst v63  }
0x60: {  	_ =	swait.ge [sflag:s25], $0x4000  }
0x61: {  	s7 =	sadd.s32 s21, s9;
	[sflag:s25] =	ssyncset.done $0x0  }
0x62: {  	s8 =	simm.s32 @!p0 $0x5;
	s14 =	sshrl.u32 s7, $0xA;
	[sflag:s25] =	ssyncadd.s32 $0xFFFFC000  }
0x63: {  	s12 =	ssub.s32 s14, s6;
	_ =	swait.ge @!p0 [sflag:s8], $0x4000  }
0x64: {  	s12 =	sshll.u32 s12, $0x9;
	[sflag:s8] =	ssyncset.done @!p0 $0x0  }
0x65: {  	s15 =	sshra.s32 s12, $0x2;
	[sflag:s8] =	ssyncadd.s32 @!p0 $0xFFFFC000  }
0x66: {  	v6 =	vld [tilespmem:s15+$0x1900]  }
0x67: {  	v5 =	vld [tilespmem:s15+$0x1910]  }
0x68: {  	v4 =	vld [tilespmem:s15+$0x1920]  }
0x69: {  	v3 =	vld [tilespmem:s15+$0x1930]  }
0x6a: {  	v2 =	vld [tilespmem:s15+$0x1940]  }
0x6b: {  	v1 =	vld [tilespmem:s15+$0x1950]  }
0x6c: {  	v0 =	vld [tilespmem:s15+$0x1960]  }
0x6d: {  	s12 =	simm.s32 $0x0;
	v7 =	vld [tilespmem:s15+$0x1970]  }
0x6e: {  	v8 =	vld [tilespmem:s12+$0x6170]  }
0x6f: {  	v9 =	vld [tilespmem:s12+$0x6100]  }
0x70: {  	v10 =	vld [tilespmem:s12+$0x6110]  }
0x71: {  	v11 =	vld [tilespmem:s12+$0x6120]  }
0x72: {  	v12 =	vld [tilespmem:s12+$0x6130]  }
0x73: {  	v13 =	vld [tilespmem:s12+$0x6140];
	v8 =	vmul.f32 $1.131370830e+01, v8  }
0x74: {  	v14 =	vld [tilespmem:s12+$0x6150];
	v9 =	vmul.f32 $1.131370830e+01, v9  }
0x75: {  	s8 =	simm.s32 $0x80;
	v15 =	vld [tilespmem:s12+$0x6160];
	v10 =	vmul.f32 $1.131370830e+01, v10;
	v8 =	vadd.f32 v8, v7  }
0x76: {  	v16 =	vld [tilespmem:s8+$0x6170];
	v9 =	vadd.f32 v9, v6  }
0x77: {  	v17 =	vld [tilespmem:s8+$0x6100];
	v10 =	vadd.f32 v10, v5;
	[tilespmem:s12+$0x12170] =	vst v8;
	v8 =	vmul.f32 $1.131370830e+01, v11  }
0x78: {  	v12 =	vmul.f32 $1.131370830e+01, v12;
	v18 =	vld [tilespmem:s8+$0x6110];
	[tilespmem:s12+$0x12100] =	vst v9  }
0x79: {  	v11 =	vld [tilespmem:s8+$0x6120];
	v8 =	vadd.f32 v8, v4;
	[tilespmem:s12+$0x12110] =	vst v10;
	v10 =	vmul.f32 $1.131370830e+01, v13  }
0x7a: {  	v12 =	vadd.f32 v12, v3;
	v13 =	vmul.f32 $1.131370830e+01, v14  }
0x7b: {  	v15 =	vmul.f32 $1.131370830e+01, v15;
	v9 =	vld [tilespmem:s8+$0x6130];
	[tilespmem:s12+$0x12120] =	vst v8;
	v14 =	vadd.f32 v10, v2  }
0x7c: {  	v16 =	vmul.f32 $1.131370830e+01, v16;
	v19 =	vadd.f32 v13, v1;
	v8 =	vld [tilespmem:s8+$0x6140];
	[tilespmem:s12+$0x12130] =	vst v12  }
0x7d: {  	v15 =	vadd.f32 v15, v0;
	v13 =	vmul.f32 $1.131370830e+01, v17;
	v10 =	vld [tilespmem:s8+$0x6150];
	[tilespmem:s12+$0x12140] =	vst v14  }
0x7e: {  	s14 =	simm.s32 $0x100;
	s15 =	simm.s32 $0x600;
	v16 =	vadd.f32 v16, v7;
	v14 =	vmul.f32 $1.131370830e+01, v18;
	v12 =	vld [tilespmem:s8+$0x6160];
	[tilespmem:s12+$0x12150] =	vst v19  }
.LBB2_5:
0x7f: {  	p1 =	sne.s32 s15, $0xFE00;
	v17 =	vld [tilespmem:s14+$0x6170];
	v13 =	vadd.f32 v13, v6;
	v11 =	vmul.f32 $1.131370830e+01, v11;
	[tilespmem:s12+$0x12160] =	vst v15;
	s12 =	smov.u32 s8;
	s8 =	smov.u32 s14  }
0x80: {  	v15 =	vld [tilespmem:s8+$0x6100];
	v14 =	vadd.f32 v14, v5;
	v9 =	vmul.f32 $1.131370830e+01, v9;
	[tilespmem:s12+$0x12170] =	vst v16  }
0x81: {  	v16 =	vld [tilespmem:s8+$0x6110];
	[tilespmem:s12+$0x12100] =	vst v13;
	v13 =	vadd.f32 v11, v4;
	v8 =	vmul.f32 $1.131370830e+01, v8  }
.Ltmp1:
0x82: {  	v11 =	vld [tilespmem:s8+$0x6120];
	[tilespmem:s12+$0x12110] =	vst v14;
	v14 =	vadd.f32 v9, v3;
	v10 =	vmul.f32 $1.131370830e+01, v10;
	(pc) =	sbr.rel @p1 .LBB2_5-.Ltmp1, $4  }
0x83: {  	v9 =	vld [tilespmem:s8+$0x6130];
	[tilespmem:s12+$0x12120] =	vst v13;
	v18 =	vadd.f32 v8, v2;
	v12 =	vmul.f32 $1.131370830e+01, v12  }
0x84: {  	v8 =	vld [tilespmem:s8+$0x6140];
	v17 =	vmul.f32 $1.131370830e+01, v17;
	[tilespmem:s12+$0x12130] =	vst v14;
	v19 =	vadd.f32 v10, v1  }
0x85: {  	v13 =	vmul.f32 $1.131370830e+01, v15;
	v10 =	vld [tilespmem:s8+$0x6150];
	[tilespmem:s12+$0x12140] =	vst v18;
	v15 =	vadd.f32 v12, v0  }
0x86: {  	s14 =	sshra.s32 s15, $0x2;
	s15 =	sadd.s32 $0x200, s15;
	v14 =	vmul.f32 $1.131370830e+01, v16;
	v12 =	vld [tilespmem:s8+$0x6160];
	v16 =	vadd.f32 v17, v7;
	[tilespmem:s12+$0x12150] =	vst v19  }
0x87: {  	v17 =	vld [tilespmem:s14+$0x6170];
	[tilespmem:s12+$0x12160] =	vst v15;
	v13 =	vadd.f32 v13, v6;
	v11 =	vmul.f32 $1.131370830e+01, v11  }
0x88: {  	v15 =	vld [tilespmem:s14+$0x6100];
	[tilespmem:s8+$0x12170] =	vst v16;
	v14 =	vadd.f32 v14, v5;
	v9 =	vmul.f32 $1.131370830e+01, v9  }
0x89: {  	v16 =	vld [tilespmem:s14+$0x6110];
	[tilespmem:s8+$0x12100] =	vst v13;
	v11 =	vadd.f32 v11, v4  }
0x8a: {  	v8 =	vmul.f32 $1.131370830e+01, v8;
	v13 =	vld [tilespmem:s14+$0x6120];
	[tilespmem:s8+$0x12110] =	vst v14;
	v9 =	vadd.f32 v9, v3  }
0x8b: {  	v10 =	vmul.f32 $1.131370830e+01, v10;
	v14 =	vld [tilespmem:s14+$0x6130];
	[tilespmem:s8+$0x12120] =	vst v11  }
0x8c: {  	v8 =	vadd.f32 v8, v2;
	v11 =	vld [tilespmem:s14+$0x6140];
	[tilespmem:s8+$0x12130] =	vst v9;
	v9 =	vmul.f32 $1.131370830e+01, v12  }
0x8d: {  	v17 =	vmul.f32 $1.131370830e+01, v17;
	v10 =	vadd.f32 v10, v1  }
0x8e: {  	v12 =	vld [tilespmem:s14+$0x6150];
	[tilespmem:s8+$0x12140] =	vst v8;
	v8 =	vmul.f32 $1.131370830e+01, v15;
	v9 =	vadd.f32 v9, v0  }
0x8f: {  	v15 =	vld [tilespmem:s14+$0x6160];
	v16 =	vmul.f32 $1.131370830e+01, v16;
	v7 =	vadd.f32 v17, v7;
	[tilespmem:s8+$0x12150] =	vst v10  }
0x90: {  	v6 =	vadd.f32 v8, v6;
	v8 =	vmul.f32 $1.131370830e+01, v13;
	[tilespmem:s8+$0x12160] =	vst v9  }
0x91: {  	v5 =	vadd.f32 v16, v5;
	v9 =	vmul.f32 $1.131370830e+01, v14;
	[tilespmem:s14+$0x12170] =	vst v7  }
0x92: {  	[tilespmem:s14+$0x12100] =	vst v6;
	v4 =	vadd.f32 v8, v4;
	v6 =	vmul.f32 $1.131370830e+01, v11  }
0x93: {  	[tilespmem:s14+$0x12110] =	vst v5;
	v3 =	vadd.f32 v9, v3;
	v5 =	vmul.f32 $1.131370830e+01, v12  }
0x94: {  	[tilespmem:s14+$0x12120] =	vst v4;
	v2 =	vadd.f32 v6, v2;
	v4 =	vmul.f32 $1.131370830e+01, v15  }
0x95: {  	[tilespmem:s14+$0x12130] =	vst v3;
	v1 =	vadd.f32 v5, v1  }
0x96: {  	[tilespmem:s14+$0x12140] =	vst v2;
	v0 =	vadd.f32 v4, v0  }
0x97: {  	[tilespmem:s14+$0x12150] =	vst v1  }
0x98: {  	s12 =	sadd.s32 $0x200, s22;
	s7 =	sshll.u32 s7, $0x4;
	[tilespmem:s14+$0x12160] =	vst v0  }
0x99: {  	[tilespmem:s20], [sflag:$0x2] =	stream.indirect.gather [hbm4b:s2+s18], $0x80, s12, s18, $0xb8;
	[tilespmem:$0x1A100] =	vst v63  }
0x9a: {  	s7 =	sadd.s32 s3, s7  }
0x9b: {  	[hbm4b:s7+s4] =	stream.linear.scatter [tilespmem:s26], [sflag:$0x5], $0x4000, $0x38;
	[tilespmem:$0x1A100] =	vst v63  }
0x9c: {  	_ =	swait.ge [sflag:s28], $0x4000  }
0x9d: {  	s21 =	sadd.s32 s21, s10;
	[sflag:s28] =	ssyncset.done $0x0  }
0x9e: {  	s14 =	sshrl.u32 s21, $0xA;
	s7 =	simm.s32 @!p0 $0x6;
	[sflag:s28] =	ssyncadd.s32 $0xFFFFC000  }
0x9f: {  	s8 =	ssub.s32 s14, s6;
	_ =	swait.ge @!p0 [sflag:s7], $0x4000  }
0xa0: {  	s8 =	sshll.u32 s8, $0x9;
	[sflag:s7] =	ssyncset.done @!p0 $0x0  }
0xa1: {  	s15 =	sshra.s32 s8, $0x2;
	[sflag:s7] =	ssyncadd.s32 @!p0 $0xFFFFC000  }
0xa2: {  	v6 =	vld [tilespmem:s15+$0x1900]  }
0xa3: {  	v5 =	vld [tilespmem:s15+$0x1910]  }
0xa4: {  	v4 =	vld [tilespmem:s15+$0x1920]  }
0xa5: {  	v3 =	vld [tilespmem:s15+$0x1930]  }
0xa6: {  	v2 =	vld [tilespmem:s15+$0x1940]  }
0xa7: {  	v1 =	vld [tilespmem:s15+$0x1950]  }
0xa8: {  	v0 =	vld [tilespmem:s15+$0x1960]  }
0xa9: {  	s8 =	simm.s32 $0x0;
	v7 =	vld [tilespmem:s15+$0x1970]  }
0xaa: {  	v8 =	vld [tilespmem:s8+$0xA170]  }
0xab: {  	v9 =	vld [tilespmem:s8+$0xA100]  }
0xac: {  	v10 =	vld [tilespmem:s8+$0xA110]  }
0xad: {  	v11 =	vld [tilespmem:s8+$0xA120]  }
0xae: {  	v12 =	vld [tilespmem:s8+$0xA130]  }
0xaf: {  	v13 =	vld [tilespmem:s8+$0xA140];
	v8 =	vmul.f32 $1.131370830e+01, v8  }
0xb0: {  	v14 =	vld [tilespmem:s8+$0xA150];
	v9 =	vmul.f32 $1.131370830e+01, v9  }
0xb1: {  	s7 =	simm.s32 $0x80;
	v15 =	vld [tilespmem:s8+$0xA160];
	v10 =	vmul.f32 $1.131370830e+01, v10;
	v8 =	vadd.f32 v8, v7  }
0xb2: {  	v16 =	vld [tilespmem:s7+$0xA170];
	v9 =	vadd.f32 v9, v6  }
0xb3: {  	v17 =	vld [tilespmem:s7+$0xA100];
	v10 =	vadd.f32 v10, v5;
	[tilespmem:s8+$0x16170] =	vst v8;
	v8 =	vmul.f32 $1.131370830e+01, v11  }
0xb4: {  	v12 =	vmul.f32 $1.131370830e+01, v12;
	v18 =	vld [tilespmem:s7+$0xA110];
	[tilespmem:s8+$0x16100] =	vst v9  }
0xb5: {  	v11 =	vld [tilespmem:s7+$0xA120];
	v8 =	vadd.f32 v8, v4;
	[tilespmem:s8+$0x16110] =	vst v10;
	v10 =	vmul.f32 $1.131370830e+01, v13  }
0xb6: {  	v12 =	vadd.f32 v12, v3;
	v13 =	vmul.f32 $1.131370830e+01, v14  }
0xb7: {  	v15 =	vmul.f32 $1.131370830e+01, v15;
	v9 =	vld [tilespmem:s7+$0xA130];
	[tilespmem:s8+$0x16120] =	vst v8;
	v14 =	vadd.f32 v10, v2  }
0xb8: {  	v16 =	vmul.f32 $1.131370830e+01, v16;
	v19 =	vadd.f32 v13, v1;
	v8 =	vld [tilespmem:s7+$0xA140];
	[tilespmem:s8+$0x16130] =	vst v12  }
0xb9: {  	v15 =	vadd.f32 v15, v0;
	v13 =	vmul.f32 $1.131370830e+01, v17;
	v10 =	vld [tilespmem:s7+$0xA150];
	[tilespmem:s8+$0x16140] =	vst v14  }
0xba: {  	s12 =	simm.s32 $0x100;
	s14 =	simm.s32 $0x600;
	v16 =	vadd.f32 v16, v7;
	v14 =	vmul.f32 $1.131370830e+01, v18;
	v12 =	vld [tilespmem:s7+$0xA160];
	[tilespmem:s8+$0x16150] =	vst v19  }
.LBB2_7:
0xbb: {  	p0 =	sne.s32 s14, $0xFE00;
	v17 =	vld [tilespmem:s12+$0xA170];
	v13 =	vadd.f32 v13, v6;
	v11 =	vmul.f32 $1.131370830e+01, v11;
	[tilespmem:s8+$0x16160] =	vst v15;
	s8 =	smov.u32 s7;
	s7 =	smov.u32 s12  }
0xbc: {  	v15 =	vld [tilespmem:s7+$0xA100];
	v14 =	vadd.f32 v14, v5;
	v9 =	vmul.f32 $1.131370830e+01, v9;
	[tilespmem:s8+$0x16170] =	vst v16  }
0xbd: {  	v16 =	vld [tilespmem:s7+$0xA110];
	[tilespmem:s8+$0x16100] =	vst v13;
	v13 =	vadd.f32 v11, v4;
	v8 =	vmul.f32 $1.131370830e+01, v8  }
.Ltmp2:
0xbe: {  	v11 =	vld [tilespmem:s7+$0xA120];
	[tilespmem:s8+$0x16110] =	vst v14;
	v14 =	vadd.f32 v9, v3;
	v10 =	vmul.f32 $1.131370830e+01, v10;
	(pc) =	sbr.rel @p0 .LBB2_7-.Ltmp2, $4  }
0xbf: {  	v9 =	vld [tilespmem:s7+$0xA130];
	[tilespmem:s8+$0x16120] =	vst v13;
	v18 =	vadd.f32 v8, v2;
	v12 =	vmul.f32 $1.131370830e+01, v12  }
0xc0: {  	v8 =	vld [tilespmem:s7+$0xA140];
	v17 =	vmul.f32 $1.131370830e+01, v17;
	[tilespmem:s8+$0x16130] =	vst v14;
	v19 =	vadd.f32 v10, v1  }
0xc1: {  	v13 =	vmul.f32 $1.131370830e+01, v15;
	v10 =	vld [tilespmem:s7+$0xA150];
	[tilespmem:s8+$0x16140] =	vst v18;
	v15 =	vadd.f32 v12, v0  }
0xc2: {  	s12 =	sshra.s32 s14, $0x2;
	s14 =	sadd.s32 $0x200, s14;
	v14 =	vmul.f32 $1.131370830e+01, v16;
	v12 =	vld [tilespmem:s7+$0xA160];
	v16 =	vadd.f32 v17, v7;
	[tilespmem:s8+$0x16150] =	vst v19  }
0xc3: {  	v17 =	vld [tilespmem:s12+$0xA170];
	[tilespmem:s8+$0x16160] =	vst v15;
	v13 =	vadd.f32 v13, v6;
	v11 =	vmul.f32 $1.131370830e+01, v11  }
0xc4: {  	v15 =	vld [tilespmem:s12+$0xA100];
	[tilespmem:s7+$0x16170] =	vst v16;
	v14 =	vadd.f32 v14, v5;
	v9 =	vmul.f32 $1.131370830e+01, v9  }
0xc5: {  	v16 =	vld [tilespmem:s12+$0xA110];
	[tilespmem:s7+$0x16100] =	vst v13;
	v11 =	vadd.f32 v11, v4;
	v8 =	vmul.f32 $1.131370830e+01, v8  }
0xc6: {  	v13 =	vld [tilespmem:s12+$0xA120];
	[tilespmem:s7+$0x16110] =	vst v14;
	v9 =	vadd.f32 v9, v3;
	v10 =	vmul.f32 $1.131370830e+01, v10  }
0xc7: {  	v14 =	vld [tilespmem:s12+$0xA130];
	[tilespmem:s7+$0x16120] =	vst v11;
	v8 =	vadd.f32 v8, v2;
	v48 =	vmul.f32 $1.131370830e+01, v12  }
0xc8: {  	v11 =	vld [tilespmem:s12+$0xA140];
	[tilespmem:s7+$0x16130] =	vst v9;
	v17 =	vmul.f32 $1.131370830e+01, v17;
	v10 =	vadd.f32 v10, v1  }
0xc9: {  	v49 =	vld [tilespmem:s12+$0xA150];
	[tilespmem:s7+$0x16140] =	vst v8;
	v50 =	vmul.f32 $1.131370830e+01, v15;
	v9 =	vadd.f32 v48, v0  }
0xca: {  	v51 =	vld [tilespmem:s12+$0xA160];
	v16 =	vmul.f32 $1.131370830e+01, v16;
	v7 =	vadd.f32 v17, v7;
	[tilespmem:s7+$0x16150] =	vst v10  }
0xcb: {  	v52 =	vadd.f32 v50, v6;
	v53 =	vmul.f32 $1.131370830e+01, v13;
	[tilespmem:s7+$0x16160] =	vst v9  }
0xcc: {  	v54 =	vadd.f32 v16, v5;
	v55 =	vmul.f32 $1.131370830e+01, v14;
	[tilespmem:s12+$0x16170] =	vst v7  }
0xcd: {  	[tilespmem:s12+$0x16100] =	vst v52;
	v56 =	vadd.f32 v53, v4;
	v57 =	vmul.f32 $1.131370830e+01, v11  }
0xce: {  	[tilespmem:s12+$0x16110] =	vst v54;
	v58 =	vadd.f32 v55, v3;
	v59 =	vmul.f32 $1.131370830e+01, v49  }
0xcf: {  	[tilespmem:s12+$0x16120] =	vst v56;
	v60 =	vadd.f32 v57, v2;
	v61 =	vmul.f32 $1.131370830e+01, v51  }
0xd0: {  	[tilespmem:s12+$0x16130] =	vst v58;
	v62 =	vadd.f32 v59, v1  }
0xd1: {  	[tilespmem:s12+$0x16140] =	vst v60;
	v63 =	vadd.f32 v61, v0  }
0xd2: {  	p0 =	seq.s32 s17, $0xF;
	s17 =	sadd.s32 $0x1, s17;
	[tilespmem:s12+$0x16150] =	vst v62  }
0xd3: {  	s8 =	simm.s32 @!p0 $0x80;
	s7 =	sadd.s32 @!p0 $0x280, s22;
	[tilespmem:s12+$0x16160] =	vst v63;
	s12 =	simm.s32 @!p0 $0xA100  }
0xd4: {  	[tilespmem:s12], [sflag:$0x3] =	stream.indirect.gather @!p0 [hbm4b:s2+s8], $0x80, s7, s8, $0xb8;
	[tilespmem:$0x1A100] =	vst v63  }
0xd5: {  	p0 =	sne.s32 s17, $0x10  }
.Ltmp3:
0xd6: {  	_ = 	snop;
	(pc) =	sbr.rel @p0 .LBB2_2-.Ltmp3, $4  }
0xd7: {  	_ = 	snop  }
0xd8: {  	s22 =	sshll.u32 s21, $0x4  }
0xd9: {  	s7 =	sadd.s32 s3, s22  }
0xda: {  	[hbm4b:s7+s4] =	stream.linear.scatter [tilespmem:s29], [sflag:$0x6], $0x4000, $0x38;
	[tilespmem:$0x1A100] =	vst v63  }
0xdb: {  	_ =	swait.ge [sflag:s23], $0x4000  }
0xdc: {  	[sflag:s23] =	ssyncset.done $0x0  }
0xdd: {  	[sflag:s23] =	ssyncadd.s32 $0xFFFFC000  }
0xde: {  	_ =	swait.ge [sflag:s30], $0x4000  }
0xdf: {  	[sflag:s30] =	ssyncset.done $0x0  }
0xe0: {  	[sflag:s30] =	ssyncadd.s32 $0xFFFFC000  }
0xe1: {  	v6 =	vld [tilespmem:s11+$0x1900]  }
0xe2: {  	v5 =	vld [tilespmem:s11+$0x1910]  }
0xe3: {  	v4 =	vld [tilespmem:s11+$0x1920]  }
0xe4: {  	v3 =	vld [tilespmem:s11+$0x1930]  }
0xe5: {  	v2 =	vld [tilespmem:s11+$0x1940]  }
0xe6: {  	v1 =	vld [tilespmem:s11+$0x1950]  }
0xe7: {  	v0 =	vld [tilespmem:s11+$0x1960]  }
0xe8: {  	s8 =	simm.s32 $0x0;
	v7 =	vld [tilespmem:s11+$0x1970]  }
0xe9: {  	v8 =	vld [tilespmem:s8+$0x2170]  }
0xea: {  	v9 =	vld [tilespmem:s8+$0x2100]  }
0xeb: {  	v10 =	vld [tilespmem:s8+$0x2110]  }
0xec: {  	v11 =	vld [tilespmem:s8+$0x2120]  }
0xed: {  	v12 =	vld [tilespmem:s8+$0x2130]  }
0xee: {  	v13 =	vld [tilespmem:s8+$0x2140];
	v8 =	vmul.f32 $1.131370830e+01, v8  }
0xef: {  	v14 =	vld [tilespmem:s8+$0x2150];
	v9 =	vmul.f32 $1.131370830e+01, v9  }
0xf0: {  	s7 =	simm.s32 $0x80;
	v15 =	vld [tilespmem:s8+$0x2160];
	v10 =	vmul.f32 $1.131370830e+01, v10;
	v8 =	vadd.f32 v8, v7  }
0xf1: {  	v16 =	vld [tilespmem:s7+$0x2170];
	v9 =	vadd.f32 v9, v6  }
0xf2: {  	v17 =	vld [tilespmem:s7+$0x2100];
	v10 =	vadd.f32 v10, v5;
	[tilespmem:s8+$0xE170] =	vst v8;
	v8 =	vmul.f32 $1.131370830e+01, v11  }
0xf3: {  	v12 =	vmul.f32 $1.131370830e+01, v12;
	v18 =	vld [tilespmem:s7+$0x2110];
	[tilespmem:s8+$0xE100] =	vst v9  }
0xf4: {  	v11 =	vld [tilespmem:s7+$0x2120];
	v8 =	vadd.f32 v8, v4;
	[tilespmem:s8+$0xE110] =	vst v10;
	v10 =	vmul.f32 $1.131370830e+01, v13  }
0xf5: {  	v12 =	vadd.f32 v12, v3;
	v13 =	vmul.f32 $1.131370830e+01, v14  }
0xf6: {  	v15 =	vmul.f32 $1.131370830e+01, v15;
	v9 =	vld [tilespmem:s7+$0x2130];
	[tilespmem:s8+$0xE120] =	vst v8;
	v14 =	vadd.f32 v10, v2  }
0xf7: {  	v16 =	vmul.f32 $1.131370830e+01, v16;
	v19 =	vadd.f32 v13, v1;
	v8 =	vld [tilespmem:s7+$0x2140];
	[tilespmem:s8+$0xE130] =	vst v12  }
0xf8: {  	v15 =	vadd.f32 v15, v0;
	v13 =	vmul.f32 $1.131370830e+01, v17;
	v10 =	vld [tilespmem:s7+$0x2150];
	[tilespmem:s8+$0xE140] =	vst v14  }
0xf9: {  	s12 =	simm.s32 $0x100;
	s14 =	simm.s32 $0x600;
	v16 =	vadd.f32 v16, v7;
	v14 =	vmul.f32 $1.131370830e+01, v18;
	v12 =	vld [tilespmem:s7+$0x2160];
	[tilespmem:s8+$0xE150] =	vst v19  }
.LBB2_10:
0xfa: {  	p0 =	sne.s32 s14, $0xFE00;
	v17 =	vld [tilespmem:s12+$0x2170];
	v13 =	vadd.f32 v13, v6;
	v11 =	vmul.f32 $1.131370830e+01, v11;
	[tilespmem:s8+$0xE160] =	vst v15;
	s8 =	smov.u32 s7;
	s7 =	smov.u32 s12  }
0xfb: {  	v15 =	vld [tilespmem:s7+$0x2100];
	v14 =	vadd.f32 v14, v5;
	v9 =	vmul.f32 $1.131370830e+01, v9;
	[tilespmem:s8+$0xE170] =	vst v16  }
0xfc: {  	v16 =	vld [tilespmem:s7+$0x2110];
	[tilespmem:s8+$0xE100] =	vst v13;
	v13 =	vadd.f32 v11, v4;
	v8 =	vmul.f32 $1.131370830e+01, v8  }
.Ltmp4:
0xfd: {  	v11 =	vld [tilespmem:s7+$0x2120];
	[tilespmem:s8+$0xE110] =	vst v14;
	v14 =	vadd.f32 v9, v3;
	v10 =	vmul.f32 $1.131370830e+01, v10;
	(pc) =	sbr.rel @p0 .LBB2_10-.Ltmp4, $4  }
0xfe: {  	v9 =	vld [tilespmem:s7+$0x2130];
	[tilespmem:s8+$0xE120] =	vst v13;
	v18 =	vadd.f32 v8, v2;
	v12 =	vmul.f32 $1.131370830e+01, v12  }
0xff: {  	v8 =	vld [tilespmem:s7+$0x2140];
	v17 =	vmul.f32 $1.131370830e+01, v17;
	[tilespmem:s8+$0xE130] =	vst v14;
	v19 =	vadd.f32 v10, v1  }
0x100: {  	v13 =	vmul.f32 $1.131370830e+01, v15;
	v10 =	vld [tilespmem:s7+$0x2150];
	[tilespmem:s8+$0xE140] =	vst v18;
	v15 =	vadd.f32 v12, v0  }
0x101: {  	s12 =	sshra.s32 s14, $0x2;
	s14 =	sadd.s32 $0x200, s14;
	v14 =	vmul.f32 $1.131370830e+01, v16;
	v12 =	vld [tilespmem:s7+$0x2160];
	v16 =	vadd.f32 v17, v7;
	[tilespmem:s8+$0xE150] =	vst v19  }
0x102: {  	v17 =	vld [tilespmem:s12+$0x2170];
	[tilespmem:s8+$0xE160] =	vst v15;
	v13 =	vadd.f32 v13, v6;
	v11 =	vmul.f32 $1.131370830e+01, v11  }
0x103: {  	v15 =	vld [tilespmem:s12+$0x2100];
	[tilespmem:s7+$0xE170] =	vst v16;
	v14 =	vadd.f32 v14, v5;
	v9 =	vmul.f32 $1.131370830e+01, v9  }
0x104: {  	v16 =	vld [tilespmem:s12+$0x2110];
	[tilespmem:s7+$0xE100] =	vst v13;
	v11 =	vadd.f32 v11, v4  }
0x105: {  	v8 =	vmul.f32 $1.131370830e+01, v8;
	v13 =	vld [tilespmem:s12+$0x2120];
	[tilespmem:s7+$0xE110] =	vst v14;
	v9 =	vadd.f32 v9, v3  }
0x106: {  	v10 =	vmul.f32 $1.131370830e+01, v10;
	v14 =	vld [tilespmem:s12+$0x2130];
	[tilespmem:s7+$0xE120] =	vst v11  }
0x107: {  	v8 =	vadd.f32 v8, v2;
	v11 =	vld [tilespmem:s12+$0x2140];
	[tilespmem:s7+$0xE130] =	vst v9;
	v9 =	vmul.f32 $1.131370830e+01, v12  }
0x108: {  	v17 =	vmul.f32 $1.131370830e+01, v17;
	v10 =	vadd.f32 v10, v1  }
0x109: {  	v12 =	vld [tilespmem:s12+$0x2150];
	[tilespmem:s7+$0xE140] =	vst v8;
	v8 =	vmul.f32 $1.131370830e+01, v15;
	v9 =	vadd.f32 v9, v0  }
0x10a: {  	v15 =	vld [tilespmem:s12+$0x2160];
	v16 =	vmul.f32 $1.131370830e+01, v16;
	v7 =	vadd.f32 v17, v7;
	[tilespmem:s7+$0xE150] =	vst v10  }
0x10b: {  	v6 =	vadd.f32 v8, v6;
	v8 =	vmul.f32 $1.131370830e+01, v13;
	[tilespmem:s7+$0xE160] =	vst v9  }
0x10c: {  	v5 =	vadd.f32 v16, v5;
	v9 =	vmul.f32 $1.131370830e+01, v14;
	[tilespmem:s12+$0xE170] =	vst v7  }
0x10d: {  	[tilespmem:s12+$0xE100] =	vst v6;
	v4 =	vadd.f32 v8, v4;
	v6 =	vmul.f32 $1.131370830e+01, v11  }
0x10e: {  	[tilespmem:s12+$0xE110] =	vst v5;
	v3 =	vadd.f32 v9, v3;
	v5 =	vmul.f32 $1.131370830e+01, v12  }
0x10f: {  	[tilespmem:s12+$0xE120] =	vst v4;
	v2 =	vadd.f32 v6, v2;
	v4 =	vmul.f32 $1.131370830e+01, v15  }
0x110: {  	[tilespmem:s12+$0xE130] =	vst v3;
	v1 =	vadd.f32 v5, v1  }
0x111: {  	[tilespmem:s12+$0xE140] =	vst v2;
	v0 =	vadd.f32 v4, v0  }
0x112: {  	[tilespmem:s12+$0xE150] =	vst v1  }
0x113: {  	s21 =	simm.s32 $0x0;
	s22 =	rddreg [dreg:$0x6];
	[tilespmem:s12+$0xE160] =	vst v0  }
0x114: {  	[hbm4b:s22+s21] =	stream.linear.scatter [tilespmem:s24], [sflag:$0x4], $0x4000, $0x38;
	[tilespmem:$0x1A100] =	vst v63  }
0x115: {  	_ =	swait.ge [sflag:s25], $0x4000  }
0x116: {  	[sflag:s25] =	ssyncset.done $0x0  }
0x117: {  	[sflag:s25] =	ssyncadd.s32 $0xFFFFC000  }
0x118: {  	_ =	swait.ge [sflag:s31], $0x4000  }
0x119: {  	[sflag:s31] =	ssyncset.done $0x0  }
0x11a: {  	[sflag:s31] =	ssyncadd.s32 $0xFFFFC000  }
0x11b: {  	v6 =	vld [tilespmem:s13+$0x1900]  }
0x11c: {  	v5 =	vld [tilespmem:s13+$0x1910]  }
0x11d: {  	v4 =	vld [tilespmem:s13+$0x1920]  }
0x11e: {  	v3 =	vld [tilespmem:s13+$0x1930]  }
0x11f: {  	v2 =	vld [tilespmem:s13+$0x1940]  }
0x120: {  	v1 =	vld [tilespmem:s13+$0x1950]  }
0x121: {  	v0 =	vld [tilespmem:s13+$0x1960]  }
0x122: {  	s8 =	simm.s32 $0x0;
	v7 =	vld [tilespmem:s13+$0x1970]  }
0x123: {  	v8 =	vld [tilespmem:s8+$0x6170]  }
0x124: {  	v9 =	vld [tilespmem:s8+$0x6100]  }
0x125: {  	v10 =	vld [tilespmem:s8+$0x6110]  }
0x126: {  	v11 =	vld [tilespmem:s8+$0x6120]  }
0x127: {  	v12 =	vld [tilespmem:s8+$0x6130]  }
0x128: {  	v13 =	vld [tilespmem:s8+$0x6140];
	v8 =	vmul.f32 $1.131370830e+01, v8  }
0x129: {  	v14 =	vld [tilespmem:s8+$0x6150];
	v9 =	vmul.f32 $1.131370830e+01, v9  }
0x12a: {  	s7 =	simm.s32 $0x80;
	v15 =	vld [tilespmem:s8+$0x6160];
	v10 =	vmul.f32 $1.131370830e+01, v10;
	v8 =	vadd.f32 v8, v7  }
0x12b: {  	v16 =	vld [tilespmem:s7+$0x6170];
	v9 =	vadd.f32 v9, v6  }
0x12c: {  	v17 =	vld [tilespmem:s7+$0x6100];
	v10 =	vadd.f32 v10, v5;
	[tilespmem:s8+$0x12170] =	vst v8;
	v8 =	vmul.f32 $1.131370830e+01, v11  }
0x12d: {  	v12 =	vmul.f32 $1.131370830e+01, v12;
	v18 =	vld [tilespmem:s7+$0x6110];
	[tilespmem:s8+$0x12100] =	vst v9  }
0x12e: {  	v11 =	vld [tilespmem:s7+$0x6120];
	v8 =	vadd.f32 v8, v4;
	[tilespmem:s8+$0x12110] =	vst v10;
	v10 =	vmul.f32 $1.131370830e+01, v13  }
0x12f: {  	v12 =	vadd.f32 v12, v3;
	v13 =	vmul.f32 $1.131370830e+01, v14  }
0x130: {  	v15 =	vmul.f32 $1.131370830e+01, v15;
	v9 =	vld [tilespmem:s7+$0x6130];
	[tilespmem:s8+$0x12120] =	vst v8;
	v14 =	vadd.f32 v10, v2  }
0x131: {  	v16 =	vmul.f32 $1.131370830e+01, v16;
	v19 =	vadd.f32 v13, v1;
	v8 =	vld [tilespmem:s7+$0x6140];
	[tilespmem:s8+$0x12130] =	vst v12  }
0x132: {  	v15 =	vadd.f32 v15, v0;
	v13 =	vmul.f32 $1.131370830e+01, v17;
	v10 =	vld [tilespmem:s7+$0x6150];
	[tilespmem:s8+$0x12140] =	vst v14  }
0x133: {  	s14 =	simm.s32 $0x600;
	s12 =	simm.s32 $0x100;
	v16 =	vadd.f32 v16, v7;
	v14 =	vmul.f32 $1.131370830e+01, v18;
	v12 =	vld [tilespmem:s7+$0x6160];
	[tilespmem:s8+$0x12150] =	vst v19  }
.LBB2_12:
0x134: {  	p0 =	sne.s32 s14, $0xFE00;
	v17 =	vld [tilespmem:s12+$0x6170];
	v13 =	vadd.f32 v13, v6;
	v11 =	vmul.f32 $1.131370830e+01, v11;
	[tilespmem:s8+$0x12160] =	vst v15;
	s8 =	smov.u32 s7;
	s7 =	smov.u32 s12  }
0x135: {  	v15 =	vld [tilespmem:s7+$0x6100];
	v14 =	vadd.f32 v14, v5;
	v9 =	vmul.f32 $1.131370830e+01, v9;
	[tilespmem:s8+$0x12170] =	vst v16  }
0x136: {  	v16 =	vld [tilespmem:s7+$0x6110];
	[tilespmem:s8+$0x12100] =	vst v13;
	v13 =	vadd.f32 v11, v4;
	v8 =	vmul.f32 $1.131370830e+01, v8  }
.Ltmp5:
0x137: {  	v11 =	vld [tilespmem:s7+$0x6120];
	[tilespmem:s8+$0x12110] =	vst v14;
	v14 =	vadd.f32 v9, v3;
	v10 =	vmul.f32 $1.131370830e+01, v10;
	(pc) =	sbr.rel @p0 .LBB2_12-.Ltmp5, $4  }
0x138: {  	v9 =	vld [tilespmem:s7+$0x6130];
	[tilespmem:s8+$0x12120] =	vst v13;
	v18 =	vadd.f32 v8, v2;
	v12 =	vmul.f32 $1.131370830e+01, v12  }
0x139: {  	v8 =	vld [tilespmem:s7+$0x6140];
	v17 =	vmul.f32 $1.131370830e+01, v17;
	[tilespmem:s8+$0x12130] =	vst v14;
	v19 =	vadd.f32 v10, v1  }
0x13a: {  	v13 =	vmul.f32 $1.131370830e+01, v15;
	v10 =	vld [tilespmem:s7+$0x6150];
	[tilespmem:s8+$0x12140] =	vst v18;
	v15 =	vadd.f32 v12, v0  }
0x13b: {  	s12 =	sshra.s32 s14, $0x2;
	s14 =	sadd.s32 $0x200, s14;
	v14 =	vmul.f32 $1.131370830e+01, v16;
	v12 =	vld [tilespmem:s7+$0x6160];
	v16 =	vadd.f32 v17, v7;
	[tilespmem:s8+$0x12150] =	vst v19  }
0x13c: {  	v17 =	vld [tilespmem:s12+$0x6170];
	[tilespmem:s8+$0x12160] =	vst v15;
	v13 =	vadd.f32 v13, v6;
	v11 =	vmul.f32 $1.131370830e+01, v11  }
0x13d: {  	v15 =	vld [tilespmem:s12+$0x6100];
	[tilespmem:s7+$0x12170] =	vst v16;
	v14 =	vadd.f32 v14, v5;
	v9 =	vmul.f32 $1.131370830e+01, v9  }
0x13e: {  	v16 =	vld [tilespmem:s12+$0x6110];
	[tilespmem:s7+$0x12100] =	vst v13;
	v11 =	vadd.f32 v11, v4;
	v8 =	vmul.f32 $1.131370830e+01, v8  }
0x13f: {  	v13 =	vld [tilespmem:s12+$0x6120];
	[tilespmem:s7+$0x12110] =	vst v14;
	v9 =	vadd.f32 v9, v3;
	v10 =	vmul.f32 $1.131370830e+01, v10  }
0x140: {  	v14 =	vld [tilespmem:s12+$0x6130];
	[tilespmem:s7+$0x12120] =	vst v11;
	v8 =	vadd.f32 v8, v2;
	v48 =	vmul.f32 $1.131370830e+01, v12  }
0x141: {  	v11 =	vld [tilespmem:s12+$0x6140];
	[tilespmem:s7+$0x12130] =	vst v9;
	v17 =	vmul.f32 $1.131370830e+01, v17;
	v10 =	vadd.f32 v10, v1  }
0x142: {  	v49 =	vld [tilespmem:s12+$0x6150];
	[tilespmem:s7+$0x12140] =	vst v8;
	v50 =	vmul.f32 $1.131370830e+01, v15;
	v9 =	vadd.f32 v48, v0  }
0x143: {  	v51 =	vld [tilespmem:s12+$0x6160];
	v16 =	vmul.f32 $1.131370830e+01, v16;
	v7 =	vadd.f32 v17, v7;
	[tilespmem:s7+$0x12150] =	vst v10  }
0x144: {  	v52 =	vadd.f32 v50, v6;
	v53 =	vmul.f32 $1.131370830e+01, v13;
	[tilespmem:s7+$0x12160] =	vst v9  }
0x145: {  	v54 =	vadd.f32 v16, v5;
	v55 =	vmul.f32 $1.131370830e+01, v14;
	[tilespmem:s12+$0x12170] =	vst v7  }
0x146: {  	[tilespmem:s12+$0x12100] =	vst v52;
	v56 =	vadd.f32 v53, v4;
	v57 =	vmul.f32 $1.131370830e+01, v11  }
0x147: {  	[tilespmem:s12+$0x12110] =	vst v54;
	v58 =	vadd.f32 v55, v3;
	v59 =	vmul.f32 $1.131370830e+01, v49  }
0x148: {  	[tilespmem:s12+$0x12120] =	vst v56;
	v60 =	vadd.f32 v57, v2;
	v61 =	vmul.f32 $1.131370830e+01, v51  }
0x149: {  	[tilespmem:s12+$0x12130] =	vst v58;
	v62 =	vadd.f32 v59, v1  }
0x14a: {  	[tilespmem:s12+$0x12140] =	vst v60;
	v63 =	vadd.f32 v61, v0  }
0x14b: {  	[tilespmem:s12+$0x12150] =	vst v62  }
0x14c: {  	s21 =	rddreg [dreg:$0x7];
	[tilespmem:s12+$0x12160] =	vst v63  }
0x14d: {  	[hbm4b:s21+s4] =	stream.linear.scatter [tilespmem:s26], [sflag:$0x5], $0x4000, $0x38;
	[tilespmem:$0x1A100] =	vst v63  }
0x14e: {  	_ =	swait.ge [sflag:s30], $0x4000  }
0x14f: {  	[sflag:s30] =	ssyncset.done $0x0  }
0x150: {  	[sflag:s30] =	ssyncadd.s32 $0xFFFFC000  }
0x151: {  	_ =	swait.ge [sflag:s31], $0x4000  }
0x152: {  	[sflag:s31] =	ssyncset.done $0x0  }
0x153: {  	[sflag:s31] =	ssyncadd.s32 $0xFFFFC000  }
0x154: {  	_ =	swait.ge [sflag:s1], $0x4000  }
0x155: {  	s0 =	sadd.s32 $0x1, s0;
	s22 =	rddreg [dreg:$0x8]  }
0x156: {  	p0 =	sne.s32 s0, s22  }
.Ltmp6:
0x157: {  	_ = 	snop;
	(pc) =	sbr.rel @p0 .LBB2_1-.Ltmp6, $3  }
0x158: {  	_ =	sdelay $0x1  }
0x159: {  	[sflag:s1] =	ssyncset.done $0x0  }
0x15a: {  	[sflag:s1] =	ssyncadd.s32 $0xFFFFC000  }
0x15b: {  	_ =	sfence.sel $0x180000  }
0x15c: {  	[bflag:$0x0] =	sbarrier.arrive $0xFFFF  }
0x15d: {  	_ =	strace $0x90000047  }
0x15e: {  	s0 =	stileid.u32;
	[bflag:$0x2] =	sbarrier.arrive $0xFFFF  }
0x15f: {  	p0 =	sne.s32 s0, $0x0;
	s0 =	rddreg [dreg:$0x3]  }
0x160: {  	s0 =	sadd.s32 @!p0 $0x100000, s0  }
0x161: {  	[sflag:s0] =	ssyncadd.tile.s32 @!p0 $0x1;
	_ =	shalt  }
.Lfunc_end2:
_tile_overlayer_lowered:
.L_overlay_start_2:
0x162: {  	(tag) =	ssettag $0x2  }
0x163: {  	s0 =	rddreg [dreg:$0x0];
	s2 =	stileid.u32  }
0x164: {  	s1 =	rddreg [dreg:$0x1];
	p0 =	sne.s32 s2, $0x0  }
0x165: {  	s3 =	rddreg [dreg:$0x2];
	[bflag:$0x3] =	sbarrier.arrive $0xFFFF;
	s2 =	simm.s32 @!p0 $0x1C07  }
0x166: {  	[timem:s3], [sflag:s2] =	dma.local @!p0 [hbm:s0], s1  }
0x167: {  	s0 =	simm.s32 @!p0 $0x7  }
0x168: {  	_ =	swait.ge @!p0 [sflag:s0], s1  }
0x169: {  	s1 =	ssub.s32 @!p0 $0x0, s1;
	[sflag:s0] =	ssyncset.done @!p0 $0x0  }
0x16a: {  	[sflag:s0] =	ssyncadd.s32 @!p0 s1  }
0x16b: {  	[bflag:$0x3] =	sbarrier.arrive $0xFFFF  }
0x16c: {  	_ =	shalt  }

</sc_bundles>
